<compile_context>
chip_gen: v7x
topology: tpu7x:2x2x1
jax: 0.10.2.dev20260603
libtpu: 0.0.44.dev20260713+nightly
codegen_flags: <defaults>
</compile_context>

<pallas_src>
import functools
import jax
import jax.numpy as jnp
from jax import lax
from jax.experimental import pallas as pl
from jax.experimental.pallas import tpu as pltpu
from jax.experimental.pallas import tpu_sc as plsc

_B, _N, _M, _D = 8, 2048, 2048, 3
_L = 16
_PTS = 1024

_GDN = lax.GatherDimensionNumbers(
    offset_dims=(), collapsed_slice_dims=(0,), start_index_map=(0,))


def _rot(v, idx):
    return lax.gather(v, idx[:, None], dimension_numbers=_GDN,
                      slice_sizes=(1,),
                      mode=lax.GatherScatterMode.PROMISE_IN_BOUNDS)


def _sc_chamfer():
    mesh = plsc.VectorSubcoreMesh(core_axis_name="c", subcore_axis_name="s")

    @functools.partial(
        pl.kernel, mesh=mesh,
        out_type=[
            jax.ShapeDtypeStruct((_B, _N), jnp.float32),
            jax.ShapeDtypeStruct((_B, _M), jnp.float32),
        ],
        scratch_types=[
            pltpu.VMEM((_D, _N), jnp.float32),
            pltpu.VMEM((_D, _M), jnp.float32),
            pltpu.VMEM((_PTS,), jnp.float32),
        ],
    )
    def k(x_hbm, y_hbm, d1_hbm, d2_hbm, qv, cv, outv):
        wid = lax.axis_index("s") * 2 + lax.axis_index("c")
        half = wid // _L
        w = wid % _L
        b = w // 2
        q0 = (w % 2) * _PTS

        inf16 = jnp.full((_L,), jnp.float32(jnp.inf))
        iota = lax.iota(jnp.int32, _L)
        idxs = [(iota + r) & (_L - 1) for r in range(1, _L)]

        def run(src_q, src_c, dst):
            pltpu.sync_copy(src_q.at[b], qv)
            pltpu.sync_copy(src_c.at[b], cv)

            def point_chunk(ic, _):
                base = q0 + ic * _L
                q = [qv[kd, pl.ds(base, _L)] for kd in range(_D)]

                def cand_chunk(jc, acc):
                    j0 = jc * _L
                    c = [cv[kd, pl.ds(j0, _L)] for kd in range(_D)]
                    for r in range(_L):
                        d = None
                        for kd in range(_D):
                            cr = c[kd] if r == 0 else _rot(c[kd], idxs[r - 1])
                            t = q[kd] - cr
                            d = t * t if d is None else d + t * t
                        acc = jnp.minimum(acc, d)
                    return acc

                acc = lax.fori_loop(0, _M // _L, cand_chunk, inf16)
                outv[pl.ds(ic * _L, _L)] = acc
                return 0

            lax.fori_loop(0, _PTS // _L, point_chunk, 0)
            pltpu.sync_copy(outv, dst.at[b, pl.ds(q0, _PTS)])

        @pl.when(half == 0)
        def _dist1():
            run(x_hbm, y_hbm, d1_hbm)

        @pl.when(half == 1)
        def _dist2():
            run(y_hbm, x_hbm, d2_hbm)

    return k


@jax.jit
def kernel(input1, input2):
    x = jnp.transpose(input1, (0, 2, 1))
    y = jnp.transpose(input2, (0, 2, 1))
    d1, d2 = _sc_chamfer()(x, y)
    return (d1, d2)

# --- scband reference (transcript-rebuilt; emitter-appended) ---
"""Pipeline reference for scband-chamfer-dist-60593398612307 (READ-ONLY COPY).

The authoritative reference and input builder live on the scoring server;
editing this copy changes nothing except your own understanding.
"""

import jax, jax.numpy as jnp
import numpy as np


def setup_inputs(seed: int = 0) -> dict:
    key = jax.random.key(seed)
    k1, k2 = jax.random.split(key)
    input1 = jax.random.normal(k1, (8, 2048, 3), dtype=jnp.float32)
    input2 = jax.random.normal(k2, (8, 2048, 3), dtype=jnp.float32)
    return {"input1": input1, "input2": input2}


def reference(input1, input2):
    # Chamfer distance: for each point in cloud1, squared distance to nearest
    # point in cloud2, and vice versa (matches chamfer.cu forward semantics,
    # which returns squared L2 distances).
    # input1: [B, N, 3], input2: [B, M, 3]
    diff = input1[:, :, None, :] - input2[:, None, :, :]  # [B, N, M, 3]
    d = jnp.sum(diff * diff, axis=-1)                      # [B, N, M]
    dist1 = jnp.min(d, axis=2)                             # [B, N]
    dist2 = jnp.min(d, axis=1)                             # [B, M]
    return (dist1, dist2)

if __name__ == "__main__":
    import jax
    _d = setup_inputs()
    print(jax.jit(kernel)(*tuple(_d.values())))

</pallas_src>

<mosaic_0001>
#map = affine_map<(d0, d1) -> (0, 0, 0)>
#map1 = affine_map<(d0, d1) -> (0, 0)>
module attributes {stable_mosaic.version = 14 : i64} {
  func.func @k(%arg0: i32, %arg1: i32, %arg2: memref<8x3x2048xf32, #tpu.memory_space<hbm>>, %arg3: memref<8x3x2048xf32, #tpu.memory_space<hbm>>, %arg4: memref<8x2048xf32, #tpu.memory_space<hbm>>, %arg5: memref<8x2048xf32, #tpu.memory_space<hbm>>, %arg6: memref<3x2048xf32, #tpu.memory_space<vmem>>, %arg7: memref<3x2048xf32, #tpu.memory_space<vmem>>, %arg8: memref<1024xf32, #tpu.memory_space<vmem>>) attributes {dimension_semantics = [#tpu.dimension_semantics<core_parallel>, #tpu.dimension_semantics<subcore_parallel>], iteration_bounds = array<i64: 2, 16>, scalar_prefetch = 0 : i64, scratch_operands = 3 : i64, tpu.core_type = #tpu.core_type<sc_vector_subcore>, window_params = [{transform_indices = #map}, {transform_indices = #map}, {transform_indices = #map1}, {transform_indices = #map1}]} {
    %mul3A = arith.constant 2 : i32
    %mul3A_0 = arith.muli %arg1, %mul3A : i32
    %add3A = arith.addi %mul3A_0, %arg0 : i32
    %jit3A = arith.constant 16 : i32
    %div3A = arith.divsi %add3A, %jit3A : i32
    %sign3A = arith.constant 0 : i32
    %sign3A_1 = arith.cmpi sgt, %add3A, %sign3A : i32
    %sign3A_2 = arith.extui %sign3A_1 : i1 to i32
    %sign3A_3 = arith.constant 0 : i32
    %sign3A_4 = arith.cmpi slt, %add3A, %sign3A_3 : i32
    %sign3A_5 = arith.extui %sign3A_4 : i1 to i32
    %sign3A_6 = arith.subi %sign3A_2, %sign3A_5 : i32
    %sign3A_7 = arith.constant 0 : i32
    %sign3A_8 = arith.cmpi sgt, %jit3A, %sign3A_7 : i32
    %sign3A_9 = arith.extui %sign3A_8 : i1 to i32
    %sign3A_10 = arith.constant 0 : i32
    %sign3A_11 = arith.cmpi slt, %jit3A, %sign3A_10 : i32
    %sign3A_12 = arith.extui %sign3A_11 : i1 to i32
    %sign3A_13 = arith.subi %sign3A_9, %sign3A_12 : i32
    %ne3A = arith.cmpi ne, %sign3A_6, %sign3A_13 : i32
    %rem3A = arith.remsi %add3A, %jit3A : i32
    %ne3A_14 = arith.constant 0 : i32
    %ne3A_15 = arith.cmpi ne, %rem3A, %ne3A_14 : i32
    %and3A = arith.andi %ne3A, %ne3A_15 : i1
    %sub3A = arith.constant 1 : i32
    %sub3A_16 = arith.subi %div3A, %sub3A : i32
    %select_n3A = arith.select %and3A, %sub3A_16, %div3A : i32
    %jit3A_17 = arith.constant 16 : i32
    %eq3A = arith.constant 0 : i32
    %eq3A_18 = arith.cmpi eq, %jit3A_17, %eq3A : i32
    %jit3A_19 = arith.constant 1 : i32
    %select_n3A_20 = arith.select %eq3A_18, %jit3A_19, %jit3A_17 : i32
    %rem3A_21 = arith.remsi %add3A, %select_n3A_20 : i32
    %ne3A_22 = arith.constant 0 : i32
    %ne3A_23 = arith.cmpi ne, %rem3A_21, %ne3A_22 : i32
    %lt3A = arith.constant 0 : i32
    %lt3A_24 = arith.cmpi slt, %rem3A_21, %lt3A : i32
    %lt3A_25 = arith.constant 0 : i32
    %lt3A_26 = arith.cmpi slt, %select_n3A_20, %lt3A_25 : i32
    %ne3A_27 = arith.xori %lt3A_24, %lt3A_26 : i1
    %and3A_28 = arith.andi %ne3A_27, %ne3A_23 : i1
    %add3A_29 = arith.addi %rem3A_21, %select_n3A_20 : i32
    %select_n3A_30 = arith.select %and3A_28, %add3A_29, %rem3A_21 : i32
    %jit3A_31 = arith.constant 2 : i32
    %div3A_32 = arith.divsi %select_n3A_30, %jit3A_31 : i32
    %sign3A_33 = arith.constant 0 : i32
    %sign3A_34 = arith.cmpi sgt, %select_n3A_30, %sign3A_33 : i32
    %sign3A_35 = arith.extui %sign3A_34 : i1 to i32
    %sign3A_36 = arith.constant 0 : i32
    %sign3A_37 = arith.cmpi slt, %select_n3A_30, %sign3A_36 : i32
    %sign3A_38 = arith.extui %sign3A_37 : i1 to i32
    %sign3A_39 = arith.subi %sign3A_35, %sign3A_38 : i32
    %sign3A_40 = arith.constant 0 : i32
    %sign3A_41 = arith.cmpi sgt, %jit3A_31, %sign3A_40 : i32
    %sign3A_42 = arith.extui %sign3A_41 : i1 to i32
    %sign3A_43 = arith.constant 0 : i32
    %sign3A_44 = arith.cmpi slt, %jit3A_31, %sign3A_43 : i32
    %sign3A_45 = arith.extui %sign3A_44 : i1 to i32
    %sign3A_46 = arith.subi %sign3A_42, %sign3A_45 : i32
    %ne3A_47 = arith.cmpi ne, %sign3A_39, %sign3A_46 : i32
    %rem3A_48 = arith.remsi %select_n3A_30, %jit3A_31 : i32
    %ne3A_49 = arith.constant 0 : i32
    %ne3A_50 = arith.cmpi ne, %rem3A_48, %ne3A_49 : i32
    %and3A_51 = arith.andi %ne3A_47, %ne3A_50 : i1
    %sub3A_52 = arith.constant 1 : i32
    %sub3A_53 = arith.subi %div3A_32, %sub3A_52 : i32
    %select_n3A_54 = arith.select %and3A_51, %sub3A_53, %div3A_32 : i32
    %jit3A_55 = arith.constant 2 : i32
    %eq3A_56 = arith.constant 0 : i32
    %eq3A_57 = arith.cmpi eq, %jit3A_55, %eq3A_56 : i32
    %jit3A_58 = arith.constant 1 : i32
    %select_n3A_59 = arith.select %eq3A_57, %jit3A_58, %jit3A_55 : i32
    %rem3A_60 = arith.remsi %select_n3A_30, %select_n3A_59 : i32
    %ne3A_61 = arith.constant 0 : i32
    %ne3A_62 = arith.cmpi ne, %rem3A_60, %ne3A_61 : i32
    %lt3A_63 = arith.constant 0 : i32
    %lt3A_64 = arith.cmpi slt, %rem3A_60, %lt3A_63 : i32
    %lt3A_65 = arith.constant 0 : i32
    %lt3A_66 = arith.cmpi slt, %select_n3A_59, %lt3A_65 : i32
    %ne3A_67 = arith.xori %lt3A_64, %lt3A_66 : i1
    %and3A_68 = arith.andi %ne3A_67, %ne3A_62 : i1
    %add3A_69 = arith.addi %rem3A_60, %select_n3A_59 : i32
    %select_n3A_70 = arith.select %and3A_68, %add3A_69, %rem3A_60 : i32
    %mul3A_71 = arith.constant 1024 : i32
    %mul3A_72 = arith.muli %select_n3A_70, %mul3A_71 : i32
    %broadcast_in_dim3A = arith.constant 0x7F800000 : f32
    %broadcast_in_dim3A_73 = vector.broadcast %broadcast_in_dim3A : f32 to vector<16xf32>
    %iota3A = tpu.iota {dimensions = array<i32: 0>} : vector<16xi32>
    %add3A_74 = arith.constant 1 : i32
    %add3A_75 = vector.broadcast %add3A_74 : i32 to vector<16xi32>
    %add3A_76 = arith.addi %iota3A, %add3A_75 : vector<16xi32>
    %and3A_77 = arith.constant 15 : i32
    %and3A_78 = vector.broadcast %and3A_77 : i32 to vector<16xi32>
    %and3A_79 = arith.andi %add3A_76, %and3A_78 : vector<16xi32>
    %add3A_80 = arith.constant 2 : i32
    %add3A_81 = vector.broadcast %add3A_80 : i32 to vector<16xi32>
    %add3A_82 = arith.addi %iota3A, %add3A_81 : vector<16xi32>
    %and3A_83 = arith.constant 15 : i32
    %and3A_84 = vector.broadcast %and3A_83 : i32 to vector<16xi32>
    %and3A_85 = arith.andi %add3A_82, %and3A_84 : vector<16xi32>
    %add3A_86 = arith.constant 3 : i32
    %add3A_87 = vector.broadcast %add3A_86 : i32 to vector<16xi32>
    %add3A_88 = arith.addi %iota3A, %add3A_87 : vector<16xi32>
    %and3A_89 = arith.constant 15 : i32
    %and3A_90 = vector.broadcast %and3A_89 : i32 to vector<16xi32>
    %and3A_91 = arith.andi %add3A_88, %and3A_90 : vector<16xi32>
    %add3A_92 = arith.constant 4 : i32
    %add3A_93 = vector.broadcast %add3A_92 : i32 to vector<16xi32>
    %add3A_94 = arith.addi %iota3A, %add3A_93 : vector<16xi32>
    %and3A_95 = arith.constant 15 : i32
    %and3A_96 = vector.broadcast %and3A_95 : i32 to vector<16xi32>
    %and3A_97 = arith.andi %add3A_94, %and3A_96 : vector<16xi32>
    %add3A_98 = arith.constant 5 : i32
    %add3A_99 = vector.broadcast %add3A_98 : i32 to vector<16xi32>
    %add3A_100 = arith.addi %iota3A, %add3A_99 : vector<16xi32>
    %and3A_101 = arith.constant 15 : i32
    %and3A_102 = vector.broadcast %and3A_101 : i32 to vector<16xi32>
    %and3A_103 = arith.andi %add3A_100, %and3A_102 : vector<16xi32>
    %add3A_104 = arith.constant 6 : i32
    %add3A_105 = vector.broadcast %add3A_104 : i32 to vector<16xi32>
    %add3A_106 = arith.addi %iota3A, %add3A_105 : vector<16xi32>
    %and3A_107 = arith.constant 15 : i32
    %and3A_108 = vector.broadcast %and3A_107 : i32 to vector<16xi32>
    %and3A_109 = arith.andi %add3A_106, %and3A_108 : vector<16xi32>
    %add3A_110 = arith.constant 7 : i32
    %add3A_111 = vector.broadcast %add3A_110 : i32 to vector<16xi32>
    %add3A_112 = arith.addi %iota3A, %add3A_111 : vector<16xi32>
    %and3A_113 = arith.constant 15 : i32
    %and3A_114 = vector.broadcast %and3A_113 : i32 to vector<16xi32>
    %and3A_115 = arith.andi %add3A_112, %and3A_114 : vector<16xi32>
    %add3A_116 = arith.constant 8 : i32
    %add3A_117 = vector.broadcast %add3A_116 : i32 to vector<16xi32>
    %add3A_118 = arith.addi %iota3A, %add3A_117 : vector<16xi32>
    %and3A_119 = arith.constant 15 : i32
    %and3A_120 = vector.broadcast %and3A_119 : i32 to vector<16xi32>
    %and3A_121 = arith.andi %add3A_118, %and3A_120 : vector<16xi32>
    %add3A_122 = arith.constant 9 : i32
    %add3A_123 = vector.broadcast %add3A_122 : i32 to vector<16xi32>
    %add3A_124 = arith.addi %iota3A, %add3A_123 : vector<16xi32>
    %and3A_125 = arith.constant 15 : i32
    %and3A_126 = vector.broadcast %and3A_125 : i32 to vector<16xi32>
    %and3A_127 = arith.andi %add3A_124, %and3A_126 : vector<16xi32>
    %add3A_128 = arith.constant 10 : i32
    %add3A_129 = vector.broadcast %add3A_128 : i32 to vector<16xi32>
    %add3A_130 = arith.addi %iota3A, %add3A_129 : vector<16xi32>
    %and3A_131 = arith.constant 15 : i32
    %and3A_132 = vector.broadcast %and3A_131 : i32 to vector<16xi32>
    %and3A_133 = arith.andi %add3A_130, %and3A_132 : vector<16xi32>
    %add3A_134 = arith.constant 11 : i32
    %add3A_135 = vector.broadcast %add3A_134 : i32 to vector<16xi32>
    %add3A_136 = arith.addi %iota3A, %add3A_135 : vector<16xi32>
    %and3A_137 = arith.constant 15 : i32
    %and3A_138 = vector.broadcast %and3A_137 : i32 to vector<16xi32>
    %and3A_139 = arith.andi %add3A_136, %and3A_138 : vector<16xi32>
    %add3A_140 = arith.constant 12 : i32
    %add3A_141 = vector.broadcast %add3A_140 : i32 to vector<16xi32>
    %add3A_142 = arith.addi %iota3A, %add3A_141 : vector<16xi32>
    %and3A_143 = arith.constant 15 : i32
    %and3A_144 = vector.broadcast %and3A_143 : i32 to vector<16xi32>
    %and3A_145 = arith.andi %add3A_142, %and3A_144 : vector<16xi32>
    %add3A_146 = arith.constant 13 : i32
    %add3A_147 = vector.broadcast %add3A_146 : i32 to vector<16xi32>
    %add3A_148 = arith.addi %iota3A, %add3A_147 : vector<16xi32>
    %and3A_149 = arith.constant 15 : i32
    %and3A_150 = vector.broadcast %and3A_149 : i32 to vector<16xi32>
    %and3A_151 = arith.andi %add3A_148, %and3A_150 : vector<16xi32>
    %add3A_152 = arith.constant 14 : i32
    %add3A_153 = vector.broadcast %add3A_152 : i32 to vector<16xi32>
    %add3A_154 = arith.addi %iota3A, %add3A_153 : vector<16xi32>
    %and3A_155 = arith.constant 15 : i32
    %and3A_156 = vector.broadcast %and3A_155 : i32 to vector<16xi32>
    %and3A_157 = arith.andi %add3A_154, %and3A_156 : vector<16xi32>
    %add3A_158 = arith.constant 15 : i32
    %add3A_159 = vector.broadcast %add3A_158 : i32 to vector<16xi32>
    %add3A_160 = arith.addi %iota3A, %add3A_159 : vector<16xi32>
    %and3A_161 = arith.constant 15 : i32
    %and3A_162 = vector.broadcast %and3A_161 : i32 to vector<16xi32>
    %and3A_163 = arith.andi %add3A_160, %and3A_162 : vector<16xi32>
    %eq3A_164 = arith.constant 0 : i32
    %eq3A_165 = arith.cmpi eq, %select_n3A, %eq3A_164 : i32
    %convert_element_type3A = arith.extui %eq3A_165 : i1 to i32
    %cond3A = arith.constant 0 : i32
    %cond3A_166 = arith.cmpi ne, %convert_element_type3A, %cond3A : i32
    scf.if %cond3A_166 {
      "tpu.region"() ({
        %run_scoped3A = tpu.sem_alloc : memref<!tpu.dma_semaphore, #tpu.memory_space<semaphore_mem>>
        %dma_start3A = arith.constant 0 : i32
        %dma_start3A_178 = arith.constant 0 : i32
        %dma_start3A_179 = tpu.memref_slice %arg2[%select_n3A_54, %dma_start3A, %dma_start3A_178] : memref<8x3x2048xf32, #tpu.memory_space<hbm>> -> memref<1x3x2048xf32, #tpu.memory_space<hbm>>
        %dma_start3A_180 = tpu.memref_squeeze %dma_start3A_179 : memref<1x3x2048xf32, #tpu.memory_space<hbm>> -> memref<3x2048xf32, #tpu.memory_space<hbm>>
        %dma_start3A_181 = arith.constant 0 : i32
        %dma_start3A_182 = arith.constant 0 : i32
        %dma_start3A_183 = tpu.memref_slice %arg2[%select_n3A_54, %dma_start3A_181, %dma_start3A_182] : memref<8x3x2048xf32, #tpu.memory_space<hbm>> -> memref<1x3x2048xf32, #tpu.memory_space<hbm>>
        %dma_start3A_184 = tpu.memref_squeeze %dma_start3A_183 : memref<1x3x2048xf32, #tpu.memory_space<hbm>> -> memref<3x2048xf32, #tpu.memory_space<hbm>>
        tpu.enqueue_dma source(%dma_start3A_184 : memref<3x2048xf32, #tpu.memory_space<hbm>>) target(%arg6 : memref<3x2048xf32, #tpu.memory_space<vmem>>) target_semaphore(%run_scoped3A : memref<!tpu.dma_semaphore, #tpu.memory_space<semaphore_mem>>)
        %dma_wait3A = arith.constant 0 : i32
        %dma_wait3A_185 = arith.constant 0 : i32
        %dma_wait3A_186 = tpu.memref_slice %arg2[%select_n3A_54, %dma_wait3A, %dma_wait3A_185] : memref<8x3x2048xf32, #tpu.memory_space<hbm>> -> memref<1x3x2048xf32, #tpu.memory_space<hbm>>
        %dma_wait3A_187 = tpu.memref_squeeze %dma_wait3A_186 : memref<1x3x2048xf32, #tpu.memory_space<hbm>> -> memref<3x2048xf32, #tpu.memory_space<hbm>>
        %dma_wait3A_188 = arith.constant 0 : i32
        %dma_wait3A_189 = arith.constant 0 : i32
        %dma_wait3A_190 = tpu.memref_slice %arg2[%select_n3A_54, %dma_wait3A_188, %dma_wait3A_189] : memref<8x3x2048xf32, #tpu.memory_space<hbm>> -> memref<1x3x2048xf32, #tpu.memory_space<hbm>>
        %dma_wait3A_191 = tpu.memref_squeeze %dma_wait3A_190 : memref<1x3x2048xf32, #tpu.memory_space<hbm>> -> memref<3x2048xf32, #tpu.memory_space<hbm>>
        tpu.wait_dma2 semaphore(%run_scoped3A : memref<!tpu.dma_semaphore, #tpu.memory_space<semaphore_mem>>) src(%dma_wait3A_191 : memref<3x2048xf32, #tpu.memory_space<hbm>>) dst(%arg6 : memref<3x2048xf32, #tpu.memory_space<vmem>>)
        tpu.yield
      }) : () -> ()
      "tpu.region"() ({
        %run_scoped3A = tpu.sem_alloc : memref<!tpu.dma_semaphore, #tpu.memory_space<semaphore_mem>>
        %dma_start3A = arith.constant 0 : i32
        %dma_start3A_178 = arith.constant 0 : i32
        %dma_start3A_179 = tpu.memref_slice %arg3[%select_n3A_54, %dma_start3A, %dma_start3A_178] : memref<8x3x2048xf32, #tpu.memory_space<hbm>> -> memref<1x3x2048xf32, #tpu.memory_space<hbm>>
        %dma_start3A_180 = tpu.memref_squeeze %dma_start3A_179 : memref<1x3x2048xf32, #tpu.memory_space<hbm>> -> memref<3x2048xf32, #tpu.memory_space<hbm>>
        %dma_start3A_181 = arith.constant 0 : i32
        %dma_start3A_182 = arith.constant 0 : i32
        %dma_start3A_183 = tpu.memref_slice %arg3[%select_n3A_54, %dma_start3A_181, %dma_start3A_182] : memref<8x3x2048xf32, #tpu.memory_space<hbm>> -> memref<1x3x2048xf32, #tpu.memory_space<hbm>>
        %dma_start3A_184 = tpu.memref_squeeze %dma_start3A_183 : memref<1x3x2048xf32, #tpu.memory_space<hbm>> -> memref<3x2048xf32, #tpu.memory_space<hbm>>
        tpu.enqueue_dma source(%dma_start3A_184 : memref<3x2048xf32, #tpu.memory_space<hbm>>) target(%arg7 : memref<3x2048xf32, #tpu.memory_space<vmem>>) target_semaphore(%run_scoped3A : memref<!tpu.dma_semaphore, #tpu.memory_space<semaphore_mem>>)
        %dma_wait3A = arith.constant 0 : i32
        %dma_wait3A_185 = arith.constant 0 : i32
        %dma_wait3A_186 = tpu.memref_slice %arg3[%select_n3A_54, %dma_wait3A, %dma_wait3A_185] : memref<8x3x2048xf32, #tpu.memory_space<hbm>> -> memref<1x3x2048xf32, #tpu.memory_space<hbm>>
        %dma_wait3A_187 = tpu.memref_squeeze %dma_wait3A_186 : memref<1x3x2048xf32, #tpu.memory_space<hbm>> -> memref<3x2048xf32, #tpu.memory_space<hbm>>
        %dma_wait3A_188 = arith.constant 0 : i32
        %dma_wait3A_189 = arith.constant 0 : i32
        %dma_wait3A_190 = tpu.memref_slice %arg3[%select_n3A_54, %dma_wait3A_188, %dma_wait3A_189] : memref<8x3x2048xf32, #tpu.memory_space<hbm>> -> memref<1x3x2048xf32, #tpu.memory_space<hbm>>
        %dma_wait3A_191 = tpu.memref_squeeze %dma_wait3A_190 : memref<1x3x2048xf32, #tpu.memory_space<hbm>> -> memref<3x2048xf32, #tpu.memory_space<hbm>>
        tpu.wait_dma2 semaphore(%run_scoped3A : memref<!tpu.dma_semaphore, #tpu.memory_space<semaphore_mem>>) src(%dma_wait3A_191 : memref<3x2048xf32, #tpu.memory_space<hbm>>) dst(%arg7 : memref<3x2048xf32, #tpu.memory_space<vmem>>)
        tpu.yield
      }) : () -> ()
      %scan3A = arith.constant 0 : i32
      %scan3A_172 = arith.constant 0 : i32
      %scan3A_173 = arith.constant 64 : i32
      %scan3A_174 = arith.addi %scan3A_172, %scan3A_173 : i32
      %scan3A_175 = arith.constant 1 : i32
      %scan3A_176 = scf.for %scan3A_178 = %scan3A_172 to %scan3A_174 step %scan3A_175 iter_args(%scan3A_179 = %scan3A) -> (i32)  : i32 {
        %mul3A_180 = arith.constant 16 : i32
        %mul3A_181 = arith.muli %scan3A_178, %mul3A_180 : i32
        %add3A_182 = arith.addi %mul3A_72, %mul3A_181 : i32
        %get3A = arith.constant 0 : i32
        %get3A_183 = arith.index_cast %get3A : i32 to index
        %get3A_184 = arith.index_cast %add3A_182 : i32 to index
        %get3A_185 = tpu.vector_load %arg6[%get3A_183, %get3A_184] {strides = array<i32>} : memref<3x2048xf32, #tpu.memory_space<vmem>>, vector<1x16xf32>,
        %get3A_186 = vector.shape_cast %get3A_185 : vector<1x16xf32> to vector<16xf32>
        %get3A_187 = arith.constant 1 : i32
        %get3A_188 = arith.index_cast %get3A_187 : i32 to index
        %get3A_189 = arith.index_cast %add3A_182 : i32 to index
        %get3A_190 = tpu.vector_load %arg6[%get3A_188, %get3A_189] {strides = array<i32>} : memref<3x2048xf32, #tpu.memory_space<vmem>>, vector<1x16xf32>,
        %get3A_191 = vector.shape_cast %get3A_190 : vector<1x16xf32> to vector<16xf32>
        %get3A_192 = arith.constant 2 : i32
        %get3A_193 = arith.index_cast %get3A_192 : i32 to index
        %get3A_194 = arith.index_cast %add3A_182 : i32 to index
        %get3A_195 = tpu.vector_load %arg6[%get3A_193, %get3A_194] {strides = array<i32>} : memref<3x2048xf32, #tpu.memory_space<vmem>>, vector<1x16xf32>,
        %get3A_196 = vector.shape_cast %get3A_195 : vector<1x16xf32> to vector<16xf32>
        %scan3A_197 = arith.constant 0 : i32
        %scan3A_198 = arith.constant 128 : i32
        %scan3A_199 = arith.addi %scan3A_197, %scan3A_198 : i32
        %scan3A_200 = arith.constant 1 : i32
        %scan3A_201 = scf.for %scan3A_209 = %scan3A_197 to %scan3A_199 step %scan3A_200 iter_args(%scan3A_210 = %broadcast_in_dim3A_73) -> (vector<16xf32>)  : i32 {
          %mul3A_211 = arith.constant 16 : i32
          %mul3A_212 = arith.muli %scan3A_209, %mul3A_211 : i32
          %get3A_213 = arith.constant 0 : i32
          %get3A_214 = arith.index_cast %get3A_213 : i32 to index
          %get3A_215 = arith.index_cast %mul3A_212 : i32 to index
          %get3A_216 = tpu.vector_load %arg7[%get3A_214, %get3A_215] {strides = array<i32>} : memref<3x2048xf32, #tpu.memory_space<vmem>>, vector<1x16xf32>,
          %get3A_217 = vector.shape_cast %get3A_216 : vector<1x16xf32> to vector<16xf32>
          %get3A_218 = arith.constant 1 : i32
          %get3A_219 = arith.index_cast %get3A_218 : i32 to index
          %get3A_220 = arith.index_cast %mul3A_212 : i32 to index
          %get3A_221 = tpu.vector_load %arg7[%get3A_219, %get3A_220] {strides = array<i32>} : memref<3x2048xf32, #tpu.memory_space<vmem>>, vector<1x16xf32>,
          %get3A_222 = vector.shape_cast %get3A_221 : vector<1x16xf32> to vector<16xf32>
          %get3A_223 = arith.constant 2 : i32
          %get3A_224 = arith.index_cast %get3A_223 : i32 to index
          %get3A_225 = arith.index_cast %mul3A_212 : i32 to index
          %get3A_226 = tpu.vector_load %arg7[%get3A_224, %get3A_225] {strides = array<i32>} : memref<3x2048xf32, #tpu.memory_space<vmem>>, vector<1x16xf32>,
          %get3A_227 = vector.shape_cast %get3A_226 : vector<1x16xf32> to vector<16xf32>
          %sub3A_228 = arith.subf %get3A_186, %get3A_217 : vector<16xf32>
          %mul3A_229 = arith.mulf %sub3A_228, %sub3A_228 : vector<16xf32>
          %sub3A_230 = arith.subf %get3A_191, %get3A_222 : vector<16xf32>
          %mul3A_231 = arith.mulf %sub3A_230, %sub3A_230 : vector<16xf32>
          %add3A_232 = arith.addf %mul3A_229, %mul3A_231 : vector<16xf32>
          %sub3A_233 = arith.subf %get3A_196, %get3A_227 : vector<16xf32>
          %mul3A_234 = arith.mulf %sub3A_233, %sub3A_233 : vector<16xf32>
          %add3A_235 = arith.addf %add3A_232, %mul3A_234 : vector<16xf32>
          %min3A = arith.minimumf %scan3A_210, %add3A_235 : vector<16xf32>
          %broadcast_in_dim3A_236 = vector.shape_cast %and3A_79 : vector<16xi32> to vector<16x1xi32>
          %gather3A = vector.shape_cast %broadcast_in_dim3A_236 : vector<16x1xi32> to vector<16xi32>
          %gather3A_237 = tpu.dynamic_gather %get3A_217[%gather3A] in [0] : vector<16xf32>, vector<16xi32> -> vector<16xf32>
          %sub3A_238 = arith.subf %get3A_186, %gather3A_237 : vector<16xf32>
          %mul3A_239 = arith.mulf %sub3A_238, %sub3A_238 : vector<16xf32>
          %broadcast_in_dim3A_240 = vector.shape_cast %and3A_79 : vector<16xi32> to vector<16x1xi32>
          %gather3A_241 = vector.shape_cast %broadcast_in_dim3A_240 : vector<16x1xi32> to vector<16xi32>
          %gather3A_242 = tpu.dynamic_gather %get3A_222[%gather3A_241] in [0] : vector<16xf32>, vector<16xi32> -> vector<16xf32>
          %sub3A_243 = arith.subf %get3A_191, %gather3A_242 : vector<16xf32>
          %mul3A_244 = arith.mulf %sub3A_243, %sub3A_243 : vector<16xf32>
          %add3A_245 = arith.addf %mul3A_239, %mul3A_244 : vector<16xf32>
          %broadcast_in_dim3A_246 = vector.shape_cast %and3A_79 : vector<16xi32> to vector<16x1xi32>
          %gather3A_247 = vector.shape_cast %broadcast_in_dim3A_246 : vector<16x1xi32> to vector<16xi32>
          %gather3A_248 = tpu.dynamic_gather %get3A_227[%gather3A_247] in [0] : vector<16xf32>, vector<16xi32> -> vector<16xf32>
          %sub3A_249 = arith.subf %get3A_196, %gather3A_248 : vector<16xf32>
          %mul3A_250 = arith.mulf %sub3A_249, %sub3A_249 : vector<16xf32>
          %add3A_251 = arith.addf %add3A_245, %mul3A_250 : vector<16xf32>
          %min3A_252 = arith.minimumf %min3A, %add3A_251 : vector<16xf32>
          %broadcast_in_dim3A_253 = vector.shape_cast %and3A_85 : vector<16xi32> to vector<16x1xi32>
          %gather3A_254 = vector.shape_cast %broadcast_in_dim3A_253 : vector<16x1xi32> to vector<16xi32>
          %gather3A_255 = tpu.dynamic_gather %get3A_217[%gather3A_254] in [0] : vector<16xf32>, vector<16xi32> -> vector<16xf32>
          %sub3A_256 = arith.subf %get3A_186, %gather3A_255 : vector<16xf32>
          %mul3A_257 = arith.mulf %sub3A_256, %sub3A_256 : vector<16xf32>
          %broadcast_in_dim3A_258 = vector.shape_cast %and3A_85 : vector<16xi32> to vector<16x1xi32>
          %gather3A_259 = vector.shape_cast %broadcast_in_dim3A_258 : vector<16x1xi32> to vector<16xi32>
          %gather3A_260 = tpu.dynamic_gather %get3A_222[%gather3A_259] in [0] : vector<16xf32>, vector<16xi32> -> vector<16xf32>
          %sub3A_261 = arith.subf %get3A_191, %gather3A_260 : vector<16xf32>
          %mul3A_262 = arith.mulf %sub3A_261, %sub3A_261 : vector<16xf32>
          %add3A_263 = arith.addf %mul3A_257, %mul3A_262 : vector<16xf32>
          %broadcast_in_dim3A_264 = vector.shape_cast %and3A_85 : vector<16xi32> to vector<16x1xi32>
          %gather3A_265 = vector.shape_cast %broadcast_in_dim3A_264 : vector<16x1xi32> to vector<16xi32>
          %gather3A_266 = tpu.dynamic_gather %get3A_227[%gather3A_265] in [0] : vector<16xf32>, vector<16xi32> -> vector<16xf32>
          %sub3A_267 = arith.subf %get3A_196, %gather3A_266 : vector<16xf32>
          %mul3A_268 = arith.mulf %sub3A_267, %sub3A_267 : vector<16xf32>
          %add3A_269 = arith.addf %add3A_263, %mul3A_268 : vector<16xf32>
          %min3A_270 = arith.minimumf %min3A_252, %add3A_269 : vector<16xf32>
          %broadcast_in_dim3A_271 = vector.shape_cast %and3A_91 : vector<16xi32> to vector<16x1xi32>
          %gather3A_272 = vector.shape_cast %broadcast_in_dim3A_271 : vector<16x1xi32> to vector<16xi32>
          %gather3A_273 = tpu.dynamic_gather %get3A_217[%gather3A_272] in [0] : vector<16xf32>, vector<16xi32> -> vector<16xf32>
          %sub3A_274 = arith.subf %get3A_186, %gather3A_273 : vector<16xf32>
          %mul3A_275 = arith.mulf %sub3A_274, %sub3A_274 : vector<16xf32>
          %broadcast_in_dim3A_276 = vector.shape_cast %and3A_91 : vector<16xi32> to vector<16x1xi32>
          %gather3A_277 = vector.shape_cast %broadcast_in_dim3A_276 : vector<16x1xi32> to vector<16xi32>
          %gather3A_278 = tpu.dynamic_gather %get3A_222[%gather3A_277] in [0] : vector<16xf32>, vector<16xi32> -> vector<16xf32>
          %sub3A_279 = arith.subf %get3A_191, %gather3A_278 : vector<16xf32>
          %mul3A_280 = arith.mulf %sub3A_279, %sub3A_279 : vector<16xf32>
          %add3A_281 = arith.addf %mul3A_275, %mul3A_280 : vector<16xf32>
          %broadcast_in_dim3A_282 = vector.shape_cast %and3A_91 : vector<16xi32> to vector<16x1xi32>
          %gather3A_283 = vector.shape_cast %broadcast_in_dim3A_282 : vector<16x1xi32> to vector<16xi32>
          %gather3A_284 = tpu.dynamic_gather %get3A_227[%gather3A_283] in [0] : vector<16xf32>, vector<16xi32> -> vector<16xf32>
          %sub3A_285 = arith.subf %get3A_196, %gather3A_284 : vector<16xf32>
          %mul3A_286 = arith.mulf %sub3A_285, %sub3A_285 : vector<16xf32>
          %add3A_287 = arith.addf %add3A_281, %mul3A_286 : vector<16xf32>
          %min3A_288 = arith.minimumf %min3A_270, %add3A_287 : vector<16xf32>
          %broadcast_in_dim3A_289 = vector.shape_cast %and3A_97 : vector<16xi32> to vector<16x1xi32>
          %gather3A_290 = vector.shape_cast %broadcast_in_dim3A_289 : vector<16x1xi32> to vector<16xi32>
          %gather3A_291 = tpu.dynamic_gather %get3A_217[%gather3A_290] in [0] : vector<16xf32>, vector<16xi32> -> vector<16xf32>
          %sub3A_292 = arith.subf %get3A_186, %gather3A_291 : vector<16xf32>
          %mul3A_293 = arith.mulf %sub3A_292, %sub3A_292 : vector<16xf32>
          %broadcast_in_dim3A_294 = vector.shape_cast %and3A_97 : vector<16xi32> to vector<16x1xi32>
          %gather3A_295 = vector.shape_cast %broadcast_in_dim3A_294 : vector<16x1xi32> to vector<16xi32>
          %gather3A_296 = tpu.dynamic_gather %get3A_222[%gather3A_295] in [0] : vector<16xf32>, vector<16xi32> -> vector<16xf32>
          %sub3A_297 = arith.subf %get3A_191, %gather3A_296 : vector<16xf32>
          %mul3A_298 = arith.mulf %sub3A_297, %sub3A_297 : vector<16xf32>
          %add3A_299 = arith.addf %mul3A_293, %mul3A_298 : vector<16xf32>
          %broadcast_in_dim3A_300 = vector.shape_cast %and3A_97 : vector<16xi32> to vector<16x1xi32>
          %gather3A_301 = vector.shape_cast %broadcast_in_dim3A_300 : vector<16x1xi32> to vector<16xi32>
          %gather3A_302 = tpu.dynamic_gather %get3A_227[%gather3A_301] in [0] : vector<16xf32>, vector<16xi32> -> vector<16xf32>
          %sub3A_303 = arith.subf %get3A_196, %gather3A_302 : vector<16xf32>
          %mul3A_304 = arith.mulf %sub3A_303, %sub3A_303 : vector<16xf32>
          %add3A_305 = arith.addf %add3A_299, %mul3A_304 : vector<16xf32>
          %min3A_306 = arith.minimumf %min3A_288, %add3A_305 : vector<16xf32>
          %broadcast_in_dim3A_307 = vector.shape_cast %and3A_103 : vector<16xi32> to vector<16x1xi32>
          %gather3A_308 = vector.shape_cast %broadcast_in_dim3A_307 : vector<16x1xi32> to vector<16xi32>
          %gather3A_309 = tpu.dynamic_gather %get3A_217[%gather3A_308] in [0] : vector<16xf32>, vector<16xi32> -> vector<16xf32>
          %sub3A_310 = arith.subf %get3A_186, %gather3A_309 : vector<16xf32>
          %mul3A_311 = arith.mulf %sub3A_310, %sub3A_310 : vector<16xf32>
          %broadcast_in_dim3A_312 = vector.shape_cast %and3A_103 : vector<16xi32> to vector<16x1xi32>
          %gather3A_313 = vector.shape_cast %broadcast_in_dim3A_312 : vector<16x1xi32> to vector<16xi32>
          %gather3A_314 = tpu.dynamic_gather %get3A_222[%gather3A_313] in [0] : vector<16xf32>, vector<16xi32> -> vector<16xf32>
          %sub3A_315 = arith.subf %get3A_191, %gather3A_314 : vector<16xf32>
          %mul3A_316 = arith.mulf %sub3A_315, %sub3A_315 : vector<16xf32>
          %add3A_317 = arith.addf %mul3A_311, %mul3A_316 : vector<16xf32>
          %broadcast_in_dim3A_318 = vector.shape_cast %and3A_103 : vector<16xi32> to vector<16x1xi32>
          %gather3A_319 = vector.shape_cast %broadcast_in_dim3A_318 : vector<16x1xi32> to vector<16xi32>
          %gather3A_320 = tpu.dynamic_gather %get3A_227[%gather3A_319] in [0] : vector<16xf32>, vector<16xi32> -> vector<16xf32>
          %sub3A_321 = arith.subf %get3A_196, %gather3A_320 : vector<16xf32>
          %mul3A_322 = arith.mulf %sub3A_321, %sub3A_321 : vector<16xf32>
          %add3A_323 = arith.addf %add3A_317, %mul3A_322 : vector<16xf32>
          %min3A_324 = arith.minimumf %min3A_306, %add3A_323 : vector<16xf32>
          %broadcast_in_dim3A_325 = vector.shape_cast %and3A_109 : vector<16xi32> to vector<16x1xi32>
          %gather3A_326 = vector.shape_cast %broadcast_in_dim3A_325 : vector<16x1xi32> to vector<16xi32>
          %gather3A_327 = tpu.dynamic_gather %get3A_217[%gather3A_326] in [0] : vector<16xf32>, vector<16xi32> -> vector<16xf32>
          %sub3A_328 = arith.subf %get3A_186, %gather3A_327 : vector<16xf32>
          %mul3A_329 = arith.mulf %sub3A_328, %sub3A_328 : vector<16xf32>
          %broadcast_in_dim3A_330 = vector.shape_cast %and3A_109 : vector<16xi32> to vector<16x1xi32>
          %gather3A_331 = vector.shape_cast %broadcast_in_dim3A_330 : vector<16x1xi32> to vector<16xi32>
          %gather3A_332 = tpu.dynamic_gather %get3A_222[%gather3A_331] in [0] : vector<16xf32>, vector<16xi32> -> vector<16xf32>
          %sub3A_333 = arith.subf %get3A_191, %gather3A_332 : vector<16xf32>
          %mul3A_334 = arith.mulf %sub3A_333, %sub3A_333 : vector<16xf32>
          %add3A_335 = arith.addf %mul3A_329, %mul3A_334 : vector<16xf32>
          %broadcast_in_dim3A_336 = vector.shape_cast %and3A_109 : vector<16xi32> to vector<16x1xi32>
          %gather3A_337 = vector.shape_cast %broadcast_in_dim3A_336 : vector<16x1xi32> to vector<16xi32>
          %gather3A_338 = tpu.dynamic_gather %get3A_227[%gather3A_337] in [0] : vector<16xf32>, vector<16xi32> -> vector<16xf32>
          %sub3A_339 = arith.subf %get3A_196, %gather3A_338 : vector<16xf32>
          %mul3A_340 = arith.mulf %sub3A_339, %sub3A_339 : vector<16xf32>
          %add3A_341 = arith.addf %add3A_335, %mul3A_340 : vector<16xf32>
          %min3A_342 = arith.minimumf %min3A_324, %add3A_341 : vector<16xf32>
          %broadcast_in_dim3A_343 = vector.shape_cast %and3A_115 : vector<16xi32> to vector<16x1xi32>
          %gather3A_344 = vector.shape_cast %broadcast_in_dim3A_343 : vector<16x1xi32> to vector<16xi32>
          %gather3A_345 = tpu.dynamic_gather %get3A_217[%gather3A_344] in [0] : vector<16xf32>, vector<16xi32> -> vector<16xf32>
          %sub3A_346 = arith.subf %get3A_186, %gather3A_345 : vector<16xf32>
          %mul3A_347 = arith.mulf %sub3A_346, %sub3A_346 : vector<16xf32>
          %broadcast_in_dim3A_348 = vector.shape_cast %and3A_115 : vector<16xi32> to vector<16x1xi32>
          %gather3A_349 = vector.shape_cast %broadcast_in_dim3A_348 : vector<16x1xi32> to vector<16xi32>
          %gather3A_350 = tpu.dynamic_gather %get3A_222[%gather3A_349] in [0] : vector<16xf32>, vector<16xi32> -> vector<16xf32>
          %sub3A_351 = arith.subf %get3A_191, %gather3A_350 : vector<16xf32>
          %mul3A_352 = arith.mulf %sub3A_351, %sub3A_351 : vector<16xf32>
          %add3A_353 = arith.addf %mul3A_347, %mul3A_352 : vector<16xf32>
          %broadcast_in_dim3A_354 = vector.shape_cast %and3A_115 : vector<16xi32> to vector<16x1xi32>
          %gather3A_355 = vector.shape_cast %broadcast_in_dim3A_354 : vector<16x1xi32> to vector<16xi32>
          %gather3A_356 = tpu.dynamic_gather %get3A_227[%gather3A_355] in [0] : vector<16xf32>, vector<16xi32> -> vector<16xf32>
          %sub3A_357 = arith.subf %get3A_196, %gather3A_356 : vector<16xf32>
          %mul3A_358 = arith.mulf %sub3A_357, %sub3A_357 : vector<16xf32>
          %add3A_359 = arith.addf %add3A_353, %mul3A_358 : vector<16xf32>
          %min3A_360 = arith.minimumf %min3A_342, %add3A_359 : vector<16xf32>
          %broadcast_in_dim3A_361 = vector.shape_cast %and3A_121 : vector<16xi32> to vector<16x1xi32>
          %gather3A_362 = vector.shape_cast %broadcast_in_dim3A_361 : vector<16x1xi32> to vector<16xi32>
          %gather3A_363 = tpu.dynamic_gather %get3A_217[%gather3A_362] in [0] : vector<16xf32>, vector<16xi32> -> vector<16xf32>
          %sub3A_364 = arith.subf %get3A_186, %gather3A_363 : vector<16xf32>
          %mul3A_365 = arith.mulf %sub3A_364, %sub3A_364 : vector<16xf32>
          %broadcast_in_dim3A_366 = vector.shape_cast %and3A_121 : vector<16xi32> to vector<16x1xi32>
          %gather3A_367 = vector.shape_cast %broadcast_in_dim3A_366 : vector<16x1xi32> to vector<16xi32>
          %gather3A_368 = tpu.dynamic_gather %get3A_222[%gather3A_367] in [0] : vector<16xf32>, vector<16xi32> -> vector<16xf32>
          %sub3A_369 = arith.subf %get3A_191, %gather3A_368 : vector<16xf32>
          %mul3A_370 = arith.mulf %sub3A_369, %sub3A_369 : vector<16xf32>
          %add3A_371 = arith.addf %mul3A_365, %mul3A_370 : vector<16xf32>
          %broadcast_in_dim3A_372 = vector.shape_cast %and3A_121 : vector<16xi32> to vector<16x1xi32>
          %gather3A_373 = vector.shape_cast %broadcast_in_dim3A_372 : vector<16x1xi32> to vector<16xi32>
          %gather3A_374 = tpu.dynamic_gather %get3A_227[%gather3A_373] in [0] : vector<16xf32>, vector<16xi32> -> vector<16xf32>
          %sub3A_375 = arith.subf %get3A_196, %gather3A_374 : vector<16xf32>
          %mul3A_376 = arith.mulf %sub3A_375, %sub3A_375 : vector<16xf32>
          %add3A_377 = arith.addf %add3A_371, %mul3A_376 : vector<16xf32>
          %min3A_378 = arith.minimumf %min3A_360, %add3A_377 : vector<16xf32>
          %broadcast_in_dim3A_379 = vector.shape_cast %and3A_127 : vector<16xi32> to vector<16x1xi32>
          %gather3A_380 = vector.shape_cast %broadcast_in_dim3A_379 : vector<16x1xi32> to vector<16xi32>
          %gather3A_381 = tpu.dynamic_gather %get3A_217[%gather3A_380] in [0] : vector<16xf32>, vector<16xi32> -> vector<16xf32>
          %sub3A_382 = arith.subf %get3A_186, %gather3A_381 : vector<16xf32>
          %mul3A_383 = arith.mulf %sub3A_382, %sub3A_382 : vector<16xf32>
          %broadcast_in_dim3A_384 = vector.shape_cast %and3A_127 : vector<16xi32> to vector<16x1xi32>
          %gather3A_385 = vector.shape_cast %broadcast_in_dim3A_384 : vector<16x1xi32> to vector<16xi32>
          %gather3A_386 = tpu.dynamic_gather %get3A_222[%gather3A_385] in [0] : vector<16xf32>, vector<16xi32> -> vector<16xf32>
          %sub3A_387 = arith.subf %get3A_191, %gather3A_386 : vector<16xf32>
          %mul3A_388 = arith.mulf %sub3A_387, %sub3A_387 : vector<16xf32>
          %add3A_389 = arith.addf %mul3A_383, %mul3A_388 : vector<16xf32>
          %broadcast_in_dim3A_390 = vector.shape_cast %and3A_127 : vector<16xi32> to vector<16x1xi32>
          %gather3A_391 = vector.shape_cast %broadcast_in_dim3A_390 : vector<16x1xi32> to vector<16xi32>
          %gather3A_392 = tpu.dynamic_gather %get3A_227[%gather3A_391] in [0] : vector<16xf32>, vector<16xi32> -> vector<16xf32>
          %sub3A_393 = arith.subf %get3A_196, %gather3A_392 : vector<16xf32>
          %mul3A_394 = arith.mulf %sub3A_393, %sub3A_393 : vector<16xf32>
          %add3A_395 = arith.addf %add3A_389, %mul3A_394 : vector<16xf32>
          %min3A_396 = arith.minimumf %min3A_378, %add3A_395 : vector<16xf32>
          %broadcast_in_dim3A_397 = vector.shape_cast %and3A_133 : vector<16xi32> to vector<16x1xi32>
          %gather3A_398 = vector.shape_cast %broadcast_in_dim3A_397 : vector<16x1xi32> to vector<16xi32>
          %gather3A_399 = tpu.dynamic_gather %get3A_217[%gather3A_398] in [0] : vector<16xf32>, vector<16xi32> -> vector<16xf32>
          %sub3A_400 = arith.subf %get3A_186, %gather3A_399 : vector<16xf32>
          %mul3A_401 = arith.mulf %sub3A_400, %sub3A_400 : vector<16xf32>
          %broadcast_in_dim3A_402 = vector.shape_cast %and3A_133 : vector<16xi32> to vector<16x1xi32>
          %gather3A_403 = vector.shape_cast %broadcast_in_dim3A_402 : vector<16x1xi32> to vector<16xi32>
          %gather3A_404 = tpu.dynamic_gather %get3A_222[%gather3A_403] in [0] : vector<16xf32>, vector<16xi32> -> vector<16xf32>
          %sub3A_405 = arith.subf %get3A_191, %gather3A_404 : vector<16xf32>
          %mul3A_406 = arith.mulf %sub3A_405, %sub3A_405 : vector<16xf32>
          %add3A_407 = arith.addf %mul3A_401, %mul3A_406 : vector<16xf32>
          %broadcast_in_dim3A_408 = vector.shape_cast %and3A_133 : vector<16xi32> to vector<16x1xi32>
          %gather3A_409 = vector.shape_cast %broadcast_in_dim3A_408 : vector<16x1xi32> to vector<16xi32>
          %gather3A_410 = tpu.dynamic_gather %get3A_227[%gather3A_409] in [0] : vector<16xf32>, vector<16xi32> -> vector<16xf32>
          %sub3A_411 = arith.subf %get3A_196, %gather3A_410 : vector<16xf32>
          %mul3A_412 = arith.mulf %sub3A_411, %sub3A_411 : vector<16xf32>
          %add3A_413 = arith.addf %add3A_407, %mul3A_412 : vector<16xf32>
          %min3A_414 = arith.minimumf %min3A_396, %add3A_413 : vector<16xf32>
          %broadcast_in_dim3A_415 = vector.shape_cast %and3A_139 : vector<16xi32> to vector<16x1xi32>
          %gather3A_416 = vector.shape_cast %broadcast_in_dim3A_415 : vector<16x1xi32> to vector<16xi32>
          %gather3A_417 = tpu.dynamic_gather %get3A_217[%gather3A_416] in [0] : vector<16xf32>, vector<16xi32> -> vector<16xf32>
          %sub3A_418 = arith.subf %get3A_186, %gather3A_417 : vector<16xf32>
          %mul3A_419 = arith.mulf %sub3A_418, %sub3A_418 : vector<16xf32>
          %broadcast_in_dim3A_420 = vector.shape_cast %and3A_139 : vector<16xi32> to vector<16x1xi32>
          %gather3A_421 = vector.shape_cast %broadcast_in_dim3A_420 : vector<16x1xi32> to vector<16xi32>
          %gather3A_422 = tpu.dynamic_gather %get3A_222[%gather3A_421] in [0] : vector<16xf32>, vector<16xi32> -> vector<16xf32>
          %sub3A_423 = arith.subf %get3A_191, %gather3A_422 : vector<16xf32>
          %mul3A_424 = arith.mulf %sub3A_423, %sub3A_423 : vector<16xf32>
          %add3A_425 = arith.addf %mul3A_419, %mul3A_424 : vector<16xf32>
          %broadcast_in_dim3A_426 = vector.shape_cast %and3A_139 : vector<16xi32> to vector<16x1xi32>
          %gather3A_427 = vector.shape_cast %broadcast_in_dim3A_426 : vector<16x1xi32> to vector<16xi32>
          %gather3A_428 = tpu.dynamic_gather %get3A_227[%gather3A_427] in [0] : vector<16xf32>, vector<16xi32> -> vector<16xf32>
          %sub3A_429 = arith.subf %get3A_196, %gather3A_428 : vector<16xf32>
          %mul3A_430 = arith.mulf %sub3A_429, %sub3A_429 : vector<16xf32>
          %add3A_431 = arith.addf %add3A_425, %mul3A_430 : vector<16xf32>
          %min3A_432 = arith.minimumf %min3A_414, %add3A_431 : vector<16xf32>
          %broadcast_in_dim3A_433 = vector.shape_cast %and3A_145 : vector<16xi32> to vector<16x1xi32>
          %gather3A_434 = vector.shape_cast %broadcast_in_dim3A_433 : vector<16x1xi32> to vector<16xi32>
          %gather3A_435 = tpu.dynamic_gather %get3A_217[%gather3A_434] in [0] : vector<16xf32>, vector<16xi32> -> vector<16xf32>
          %sub3A_436 = arith.subf %get3A_186, %gather3A_435 : vector<16xf32>
          %mul3A_437 = arith.mulf %sub3A_436, %sub3A_436 : vector<16xf32>
          %broadcast_in_dim3A_438 = vector.shape_cast %and3A_145 : vector<16xi32> to vector<16x1xi32>
          %gather3A_439 = vector.shape_cast %broadcast_in_dim3A_438 : vector<16x1xi32> to vector<16xi32>
          %gather3A_440 = tpu.dynamic_gather %get3A_222[%gather3A_439] in [0] : vector<16xf32>, vector<16xi32> -> vector<16xf32>
          %sub3A_441 = arith.subf %get3A_191, %gather3A_440 : vector<16xf32>
          %mul3A_442 = arith.mulf %sub3A_441, %sub3A_441 : vector<16xf32>
          %add3A_443 = arith.addf %mul3A_437, %mul3A_442 : vector<16xf32>
          %broadcast_in_dim3A_444 = vector.shape_cast %and3A_145 : vector<16xi32> to vector<16x1xi32>
          %gather3A_445 = vector.shape_cast %broadcast_in_dim3A_444 : vector<16x1xi32> to vector<16xi32>
          %gather3A_446 = tpu.dynamic_gather %get3A_227[%gather3A_445] in [0] : vector<16xf32>, vector<16xi32> -> vector<16xf32>
          %sub3A_447 = arith.subf %get3A_196, %gather3A_446 : vector<16xf32>
          %mul3A_448 = arith.mulf %sub3A_447, %sub3A_447 : vector<16xf32>
          %add3A_449 = arith.addf %add3A_443, %mul3A_448 : vector<16xf32>
          %min3A_450 = arith.minimumf %min3A_432, %add3A_449 : vector<16xf32>
          %broadcast_in_dim3A_451 = vector.shape_cast %and3A_151 : vector<16xi32> to vector<16x1xi32>
          %gather3A_452 = vector.shape_cast %broadcast_in_dim3A_451 : vector<16x1xi32> to vector<16xi32>
          %gather3A_453 = tpu.dynamic_gather %get3A_217[%gather3A_452] in [0] : vector<16xf32>, vector<16xi32> -> vector<16xf32>
          %sub3A_454 = arith.subf %get3A_186, %gather3A_453 : vector<16xf32>
          %mul3A_455 = arith.mulf %sub3A_454, %sub3A_454 : vector<16xf32>
          %broadcast_in_dim3A_456 = vector.shape_cast %and3A_151 : vector<16xi32> to vector<16x1xi32>
          %gather3A_457 = vector.shape_cast %broadcast_in_dim3A_456 : vector<16x1xi32> to vector<16xi32>
          %gather3A_458 = tpu.dynamic_gather %get3A_222[%gather3A_457] in [0] : vector<16xf32>, vector<16xi32> -> vector<16xf32>
          %sub3A_459 = arith.subf %get3A_191, %gather3A_458 : vector<16xf32>
          %mul3A_460 = arith.mulf %sub3A_459, %sub3A_459 : vector<16xf32>
          %add3A_461 = arith.addf %mul3A_455, %mul3A_460 : vector<16xf32>
          %broadcast_in_dim3A_462 = vector.shape_cast %and3A_151 : vector<16xi32> to vector<16x1xi32>
          %gather3A_463 = vector.shape_cast %broadcast_in_dim3A_462 : vector<16x1xi32> to vector<16xi32>
          %gather3A_464 = tpu.dynamic_gather %get3A_227[%gather3A_463] in [0] : vector<16xf32>, vector<16xi32> -> vector<16xf32>
          %sub3A_465 = arith.subf %get3A_196, %gather3A_464 : vector<16xf32>
          %mul3A_466 = arith.mulf %sub3A_465, %sub3A_465 : vector<16xf32>
          %add3A_467 = arith.addf %add3A_461, %mul3A_466 : vector<16xf32>
          %min3A_468 = arith.minimumf %min3A_450, %add3A_467 : vector<16xf32>
          %broadcast_in_dim3A_469 = vector.shape_cast %and3A_157 : vector<16xi32> to vector<16x1xi32>
          %gather3A_470 = vector.shape_cast %broadcast_in_dim3A_469 : vector<16x1xi32> to vector<16xi32>
          %gather3A_471 = tpu.dynamic_gather %get3A_217[%gather3A_470] in [0] : vector<16xf32>, vector<16xi32> -> vector<16xf32>
          %sub3A_472 = arith.subf %get3A_186, %gather3A_471 : vector<16xf32>
          %mul3A_473 = arith.mulf %sub3A_472, %sub3A_472 : vector<16xf32>
          %broadcast_in_dim3A_474 = vector.shape_cast %and3A_157 : vector<16xi32> to vector<16x1xi32>
          %gather3A_475 = vector.shape_cast %broadcast_in_dim3A_474 : vector<16x1xi32> to vector<16xi32>
          %gather3A_476 = tpu.dynamic_gather %get3A_222[%gather3A_475] in [0] : vector<16xf32>, vector<16xi32> -> vector<16xf32>
          %sub3A_477 = arith.subf %get3A_191, %gather3A_476 : vector<16xf32>
          %mul3A_478 = arith.mulf %sub3A_477, %sub3A_477 : vector<16xf32>
          %add3A_479 = arith.addf %mul3A_473, %mul3A_478 : vector<16xf32>
          %broadcast_in_dim3A_480 = vector.shape_cast %and3A_157 : vector<16xi32> to vector<16x1xi32>
          %gather3A_481 = vector.shape_cast %broadcast_in_dim3A_480 : vector<16x1xi32> to vector<16xi32>
          %gather3A_482 = tpu.dynamic_gather %get3A_227[%gather3A_481] in [0] : vector<16xf32>, vector<16xi32> -> vector<16xf32>
          %sub3A_483 = arith.subf %get3A_196, %gather3A_482 : vector<16xf32>
          %mul3A_484 = arith.mulf %sub3A_483, %sub3A_483 : vector<16xf32>
          %add3A_485 = arith.addf %add3A_479, %mul3A_484 : vector<16xf32>
          %min3A_486 = arith.minimumf %min3A_468, %add3A_485 : vector<16xf32>
          %broadcast_in_dim3A_487 = vector.shape_cast %and3A_163 : vector<16xi32> to vector<16x1xi32>
          %gather3A_488 = vector.shape_cast %broadcast_in_dim3A_487 : vector<16x1xi32> to vector<16xi32>
          %gather3A_489 = tpu.dynamic_gather %get3A_217[%gather3A_488] in [0] : vector<16xf32>, vector<16xi32> -> vector<16xf32>
          %sub3A_490 = arith.subf %get3A_186, %gather3A_489 : vector<16xf32>
          %mul3A_491 = arith.mulf %sub3A_490, %sub3A_490 : vector<16xf32>
          %broadcast_in_dim3A_492 = vector.shape_cast %and3A_163 : vector<16xi32> to vector<16x1xi32>
          %gather3A_493 = vector.shape_cast %broadcast_in_dim3A_492 : vector<16x1xi32> to vector<16xi32>
          %gather3A_494 = tpu.dynamic_gather %get3A_222[%gather3A_493] in [0] : vector<16xf32>, vector<16xi32> -> vector<16xf32>
          %sub3A_495 = arith.subf %get3A_191, %gather3A_494 : vector<16xf32>
          %mul3A_496 = arith.mulf %sub3A_495, %sub3A_495 : vector<16xf32>
          %add3A_497 = arith.addf %mul3A_491, %mul3A_496 : vector<16xf32>
          %broadcast_in_dim3A_498 = vector.shape_cast %and3A_163 : vector<16xi32> to vector<16x1xi32>
          %gather3A_499 = vector.shape_cast %broadcast_in_dim3A_498 : vector<16x1xi32> to vector<16xi32>
          %gather3A_500 = tpu.dynamic_gather %get3A_227[%gather3A_499] in [0] : vector<16xf32>, vector<16xi32> -> vector<16xf32>
          %sub3A_501 = arith.subf %get3A_196, %gather3A_500 : vector<16xf32>
          %mul3A_502 = arith.mulf %sub3A_501, %sub3A_501 : vector<16xf32>
          %add3A_503 = arith.addf %add3A_497, %mul3A_502 : vector<16xf32>
          %min3A_504 = arith.minimumf %min3A_486, %add3A_503 : vector<16xf32>
          scf.yield %min3A_504 : vector<16xf32>
        }
        %scan3A_202 = arith.constant 128 : i32
        %mul3A_203 = arith.constant 16 : i32
        %mul3A_204 = arith.muli %scan3A_178, %mul3A_203 : i32
        %swap3A = arith.index_cast %mul3A_204 : i32 to index
        %swap3A_205 = tpu.vector_load %arg8[%swap3A] {strides = array<i32>} : memref<1024xf32, #tpu.memory_space<vmem>>, vector<16xf32>,
        %swap3A_206 = vector.shape_cast %swap3A_205 : vector<16xf32> to vector<16xf32>
        %swap3A_207 = vector.shape_cast %scan3A_201 : vector<16xf32> to vector<16xf32>
        tpu.vector_store %arg8[%swap3A], %swap3A_207 {strides = array<i32>} : memref<1024xf32, #tpu.memory_space<vmem>>, vector<16xf32>,
        %scan3A_208 = arith.constant 0 : i32
        scf.yield %scan3A_208 : i32
      }
      %scan3A_177 = arith.constant 64 : i32
      "tpu.region"() ({
        %run_scoped3A = tpu.sem_alloc : memref<!tpu.dma_semaphore, #tpu.memory_space<semaphore_mem>>
        %dma_start3A = tpu.memref_slice %arg4[%select_n3A_54, %mul3A_72] : memref<8x2048xf32, #tpu.memory_space<hbm>> -> memref<1x1024xf32, #tpu.memory_space<hbm>>
        %dma_start3A_178 = tpu.memref_squeeze %dma_start3A : memref<1x1024xf32, #tpu.memory_space<hbm>> -> memref<1024xf32, #tpu.memory_space<hbm>>
        %dma_start3A_179 = tpu.memref_slice %arg4[%select_n3A_54, %mul3A_72] : memref<8x2048xf32, #tpu.memory_space<hbm>> -> memref<1x1024xf32, #tpu.memory_space<hbm>>
        %dma_start3A_180 = tpu.memref_squeeze %dma_start3A_179 : memref<1x1024xf32, #tpu.memory_space<hbm>> -> memref<1024xf32, #tpu.memory_space<hbm>>
        tpu.enqueue_dma source(%arg8 : memref<1024xf32, #tpu.memory_space<vmem>>) target(%dma_start3A_180 : memref<1024xf32, #tpu.memory_space<hbm>>) target_semaphore(%run_scoped3A : memref<!tpu.dma_semaphore, #tpu.memory_space<semaphore_mem>>)
        %dma_wait3A = tpu.memref_slice %arg4[%select_n3A_54, %mul3A_72] : memref<8x2048xf32, #tpu.memory_space<hbm>> -> memref<1x1024xf32, #tpu.memory_space<hbm>>
        %dma_wait3A_181 = tpu.memref_squeeze %dma_wait3A : memref<1x1024xf32, #tpu.memory_space<hbm>> -> memref<1024xf32, #tpu.memory_space<hbm>>
        %dma_wait3A_182 = tpu.memref_slice %arg4[%select_n3A_54, %mul3A_72] : memref<8x2048xf32, #tpu.memory_space<hbm>> -> memref<1x1024xf32, #tpu.memory_space<hbm>>
        %dma_wait3A_183 = tpu.memref_squeeze %dma_wait3A_182 : memref<1x1024xf32, #tpu.memory_space<hbm>> -> memref<1024xf32, #tpu.memory_space<hbm>>
        tpu.wait_dma2 semaphore(%run_scoped3A : memref<!tpu.dma_semaphore, #tpu.memory_space<semaphore_mem>>) src(%arg8 : memref<1024xf32, #tpu.memory_space<vmem>>) dst(%dma_wait3A_183 : memref<1024xf32, #tpu.memory_space<hbm>>)
        tpu.yield
      }) : () -> ()
    } else {
    }
    %eq3A_167 = arith.constant 1 : i32
    %eq3A_168 = arith.cmpi eq, %select_n3A, %eq3A_167 : i32
    %convert_element_type3A_169 = arith.extui %eq3A_168 : i1 to i32
    %cond3A_170 = arith.constant 0 : i32
    %cond3A_171 = arith.cmpi ne, %convert_element_type3A_169, %cond3A_170 : i32
    scf.if %cond3A_171 {
      "tpu.region"() ({
        %run_scoped3A = tpu.sem_alloc : memref<!tpu.dma_semaphore, #tpu.memory_space<semaphore_mem>>
        %dma_start3A = arith.constant 0 : i32
        %dma_start3A_178 = arith.constant 0 : i32
        %dma_start3A_179 = tpu.memref_slice %arg3[%select_n3A_54, %dma_start3A, %dma_start3A_178] : memref<8x3x2048xf32, #tpu.memory_space<hbm>> -> memref<1x3x2048xf32, #tpu.memory_space<hbm>>
        %dma_start3A_180 = tpu.memref_squeeze %dma_start3A_179 : memref<1x3x2048xf32, #tpu.memory_space<hbm>> -> memref<3x2048xf32, #tpu.memory_space<hbm>>
        %dma_start3A_181 = arith.constant 0 : i32
        %dma_start3A_182 = arith.constant 0 : i32
        %dma_start3A_183 = tpu.memref_slice %arg3[%select_n3A_54, %dma_start3A_181, %dma_start3A_182] : memref<8x3x2048xf32, #tpu.memory_space<hbm>> -> memref<1x3x2048xf32, #tpu.memory_space<hbm>>
        %dma_start3A_184 = tpu.memref_squeeze %dma_start3A_183 : memref<1x3x2048xf32, #tpu.memory_space<hbm>> -> memref<3x2048xf32, #tpu.memory_space<hbm>>
        tpu.enqueue_dma source(%dma_start3A_184 : memref<3x2048xf32, #tpu.memory_space<hbm>>) target(%arg6 : memref<3x2048xf32, #tpu.memory_space<vmem>>) target_semaphore(%run_scoped3A : memref<!tpu.dma_semaphore, #tpu.memory_space<semaphore_mem>>)
        %dma_wait3A = arith.constant 0 : i32
        %dma_wait3A_185 = arith.constant 0 : i32
        %dma_wait3A_186 = tpu.memref_slice %arg3[%select_n3A_54, %dma_wait3A, %dma_wait3A_185] : memref<8x3x2048xf32, #tpu.memory_space<hbm>> -> memref<1x3x2048xf32, #tpu.memory_space<hbm>>
        %dma_wait3A_187 = tpu.memref_squeeze %dma_wait3A_186 : memref<1x3x2048xf32, #tpu.memory_space<hbm>> -> memref<3x2048xf32, #tpu.memory_space<hbm>>
        %dma_wait3A_188 = arith.constant 0 : i32
        %dma_wait3A_189 = arith.constant 0 : i32
        %dma_wait3A_190 = tpu.memref_slice %arg3[%select_n3A_54, %dma_wait3A_188, %dma_wait3A_189] : memref<8x3x2048xf32, #tpu.memory_space<hbm>> -> memref<1x3x2048xf32, #tpu.memory_space<hbm>>
        %dma_wait3A_191 = tpu.memref_squeeze %dma_wait3A_190 : memref<1x3x2048xf32, #tpu.memory_space<hbm>> -> memref<3x2048xf32, #tpu.memory_space<hbm>>
        tpu.wait_dma2 semaphore(%run_scoped3A : memref<!tpu.dma_semaphore, #tpu.memory_space<semaphore_mem>>) src(%dma_wait3A_191 : memref<3x2048xf32, #tpu.memory_space<hbm>>) dst(%arg6 : memref<3x2048xf32, #tpu.memory_space<vmem>>)
        tpu.yield
      }) : () -> ()
      "tpu.region"() ({
        %run_scoped3A = tpu.sem_alloc : memref<!tpu.dma_semaphore, #tpu.memory_space<semaphore_mem>>
        %dma_start3A = arith.constant 0 : i32
        %dma_start3A_178 = arith.constant 0 : i32
        %dma_start3A_179 = tpu.memref_slice %arg2[%select_n3A_54, %dma_start3A, %dma_start3A_178] : memref<8x3x2048xf32, #tpu.memory_space<hbm>> -> memref<1x3x2048xf32, #tpu.memory_space<hbm>>
        %dma_start3A_180 = tpu.memref_squeeze %dma_start3A_179 : memref<1x3x2048xf32, #tpu.memory_space<hbm>> -> memref<3x2048xf32, #tpu.memory_space<hbm>>
        %dma_start3A_181 = arith.constant 0 : i32
        %dma_start3A_182 = arith.constant 0 : i32
        %dma_start3A_183 = tpu.memref_slice %arg2[%select_n3A_54, %dma_start3A_181, %dma_start3A_182] : memref<8x3x2048xf32, #tpu.memory_space<hbm>> -> memref<1x3x2048xf32, #tpu.memory_space<hbm>>
        %dma_start3A_184 = tpu.memref_squeeze %dma_start3A_183 : memref<1x3x2048xf32, #tpu.memory_space<hbm>> -> memref<3x2048xf32, #tpu.memory_space<hbm>>
        tpu.enqueue_dma source(%dma_start3A_184 : memref<3x2048xf32, #tpu.memory_space<hbm>>) target(%arg7 : memref<3x2048xf32, #tpu.memory_space<vmem>>) target_semaphore(%run_scoped3A : memref<!tpu.dma_semaphore, #tpu.memory_space<semaphore_mem>>)
        %dma_wait3A = arith.constant 0 : i32
        %dma_wait3A_185 = arith.constant 0 : i32
        %dma_wait3A_186 = tpu.memref_slice %arg2[%select_n3A_54, %dma_wait3A, %dma_wait3A_185] : memref<8x3x2048xf32, #tpu.memory_space<hbm>> -> memref<1x3x2048xf32, #tpu.memory_space<hbm>>
        %dma_wait3A_187 = tpu.memref_squeeze %dma_wait3A_186 : memref<1x3x2048xf32, #tpu.memory_space<hbm>> -> memref<3x2048xf32, #tpu.memory_space<hbm>>
        %dma_wait3A_188 = arith.constant 0 : i32
        %dma_wait3A_189 = arith.constant 0 : i32
        %dma_wait3A_190 = tpu.memref_slice %arg2[%select_n3A_54, %dma_wait3A_188, %dma_wait3A_189] : memref<8x3x2048xf32, #tpu.memory_space<hbm>> -> memref<1x3x2048xf32, #tpu.memory_space<hbm>>
        %dma_wait3A_191 = tpu.memref_squeeze %dma_wait3A_190 : memref<1x3x2048xf32, #tpu.memory_space<hbm>> -> memref<3x2048xf32, #tpu.memory_space<hbm>>
        tpu.wait_dma2 semaphore(%run_scoped3A : memref<!tpu.dma_semaphore, #tpu.memory_space<semaphore_mem>>) src(%dma_wait3A_191 : memref<3x2048xf32, #tpu.memory_space<hbm>>) dst(%arg7 : memref<3x2048xf32, #tpu.memory_space<vmem>>)
        tpu.yield
      }) : () -> ()
      %scan3A = arith.constant 0 : i32
      %scan3A_172 = arith.constant 0 : i32
      %scan3A_173 = arith.constant 64 : i32
      %scan3A_174 = arith.addi %scan3A_172, %scan3A_173 : i32
      %scan3A_175 = arith.constant 1 : i32
      %scan3A_176 = scf.for %scan3A_178 = %scan3A_172 to %scan3A_174 step %scan3A_175 iter_args(%scan3A_179 = %scan3A) -> (i32)  : i32 {
        %mul3A_180 = arith.constant 16 : i32
        %mul3A_181 = arith.muli %scan3A_178, %mul3A_180 : i32
        %add3A_182 = arith.addi %mul3A_72, %mul3A_181 : i32
        %get3A = arith.constant 0 : i32
        %get3A_183 = arith.index_cast %get3A : i32 to index
        %get3A_184 = arith.index_cast %add3A_182 : i32 to index
        %get3A_185 = tpu.vector_load %arg6[%get3A_183, %get3A_184] {strides = array<i32>} : memref<3x2048xf32, #tpu.memory_space<vmem>>, vector<1x16xf32>,
        %get3A_186 = vector.shape_cast %get3A_185 : vector<1x16xf32> to vector<16xf32>
        %get3A_187 = arith.constant 1 : i32
        %get3A_188 = arith.index_cast %get3A_187 : i32 to index
        %get3A_189 = arith.index_cast %add3A_182 : i32 to index
        %get3A_190 = tpu.vector_load %arg6[%get3A_188, %get3A_189] {strides = array<i32>} : memref<3x2048xf32, #tpu.memory_space<vmem>>, vector<1x16xf32>,
        %get3A_191 = vector.shape_cast %get3A_190 : vector<1x16xf32> to vector<16xf32>
        %get3A_192 = arith.constant 2 : i32
        %get3A_193 = arith.index_cast %get3A_192 : i32 to index
        %get3A_194 = arith.index_cast %add3A_182 : i32 to index
        %get3A_195 = tpu.vector_load %arg6[%get3A_193, %get3A_194] {strides = array<i32>} : memref<3x2048xf32, #tpu.memory_space<vmem>>, vector<1x16xf32>,
        %get3A_196 = vector.shape_cast %get3A_195 : vector<1x16xf32> to vector<16xf32>
        %scan3A_197 = arith.constant 0 : i32
        %scan3A_198 = arith.constant 128 : i32
        %scan3A_199 = arith.addi %scan3A_197, %scan3A_198 : i32
        %scan3A_200 = arith.constant 1 : i32
        %scan3A_201 = scf.for %scan3A_209 = %scan3A_197 to %scan3A_199 step %scan3A_200 iter_args(%scan3A_210 = %broadcast_in_dim3A_73) -> (vector<16xf32>)  : i32 {
          %mul3A_211 = arith.constant 16 : i32
          %mul3A_212 = arith.muli %scan3A_209, %mul3A_211 : i32
          %get3A_213 = arith.constant 0 : i32
          %get3A_214 = arith.index_cast %get3A_213 : i32 to index
          %get3A_215 = arith.index_cast %mul3A_212 : i32 to index
          %get3A_216 = tpu.vector_load %arg7[%get3A_214, %get3A_215] {strides = array<i32>} : memref<3x2048xf32, #tpu.memory_space<vmem>>, vector<1x16xf32>,
          %get3A_217 = vector.shape_cast %get3A_216 : vector<1x16xf32> to vector<16xf32>
          %get3A_218 = arith.constant 1 : i32
          %get3A_219 = arith.index_cast %get3A_218 : i32 to index
          %get3A_220 = arith.index_cast %mul3A_212 : i32 to index
          %get3A_221 = tpu.vector_load %arg7[%get3A_219, %get3A_220] {strides = array<i32>} : memref<3x2048xf32, #tpu.memory_space<vmem>>, vector<1x16xf32>,
          %get3A_222 = vector.shape_cast %get3A_221 : vector<1x16xf32> to vector<16xf32>
          %get3A_223 = arith.constant 2 : i32
          %get3A_224 = arith.index_cast %get3A_223 : i32 to index
          %get3A_225 = arith.index_cast %mul3A_212 : i32 to index
          %get3A_226 = tpu.vector_load %arg7[%get3A_224, %get3A_225] {strides = array<i32>} : memref<3x2048xf32, #tpu.memory_space<vmem>>, vector<1x16xf32>,
          %get3A_227 = vector.shape_cast %get3A_226 : vector<1x16xf32> to vector<16xf32>
          %sub3A_228 = arith.subf %get3A_186, %get3A_217 : vector<16xf32>
          %mul3A_229 = arith.mulf %sub3A_228, %sub3A_228 : vector<16xf32>
          %sub3A_230 = arith.subf %get3A_191, %get3A_222 : vector<16xf32>
          %mul3A_231 = arith.mulf %sub3A_230, %sub3A_230 : vector<16xf32>
          %add3A_232 = arith.addf %mul3A_229, %mul3A_231 : vector<16xf32>
          %sub3A_233 = arith.subf %get3A_196, %get3A_227 : vector<16xf32>
          %mul3A_234 = arith.mulf %sub3A_233, %sub3A_233 : vector<16xf32>
          %add3A_235 = arith.addf %add3A_232, %mul3A_234 : vector<16xf32>
          %min3A = arith.minimumf %scan3A_210, %add3A_235 : vector<16xf32>
          %broadcast_in_dim3A_236 = vector.shape_cast %and3A_79 : vector<16xi32> to vector<16x1xi32>
          %gather3A = vector.shape_cast %broadcast_in_dim3A_236 : vector<16x1xi32> to vector<16xi32>
          %gather3A_237 = tpu.dynamic_gather %get3A_217[%gather3A] in [0] : vector<16xf32>, vector<16xi32> -> vector<16xf32>
          %sub3A_238 = arith.subf %get3A_186, %gather3A_237 : vector<16xf32>
          %mul3A_239 = arith.mulf %sub3A_238, %sub3A_238 : vector<16xf32>
          %broadcast_in_dim3A_240 = vector.shape_cast %and3A_79 : vector<16xi32> to vector<16x1xi32>
          %gather3A_241 = vector.shape_cast %broadcast_in_dim3A_240 : vector<16x1xi32> to vector<16xi32>
          %gather3A_242 = tpu.dynamic_gather %get3A_222[%gather3A_241] in [0] : vector<16xf32>, vector<16xi32> -> vector<16xf32>
          %sub3A_243 = arith.subf %get3A_191, %gather3A_242 : vector<16xf32>
          %mul3A_244 = arith.mulf %sub3A_243, %sub3A_243 : vector<16xf32>
          %add3A_245 = arith.addf %mul3A_239, %mul3A_244 : vector<16xf32>
          %broadcast_in_dim3A_246 = vector.shape_cast %and3A_79 : vector<16xi32> to vector<16x1xi32>
          %gather3A_247 = vector.shape_cast %broadcast_in_dim3A_246 : vector<16x1xi32> to vector<16xi32>
          %gather3A_248 = tpu.dynamic_gather %get3A_227[%gather3A_247] in [0] : vector<16xf32>, vector<16xi32> -> vector<16xf32>
          %sub3A_249 = arith.subf %get3A_196, %gather3A_248 : vector<16xf32>
          %mul3A_250 = arith.mulf %sub3A_249, %sub3A_249 : vector<16xf32>
          %add3A_251 = arith.addf %add3A_245, %mul3A_250 : vector<16xf32>
          %min3A_252 = arith.minimumf %min3A, %add3A_251 : vector<16xf32>
          %broadcast_in_dim3A_253 = vector.shape_cast %and3A_85 : vector<16xi32> to vector<16x1xi32>
          %gather3A_254 = vector.shape_cast %broadcast_in_dim3A_253 : vector<16x1xi32> to vector<16xi32>
          %gather3A_255 = tpu.dynamic_gather %get3A_217[%gather3A_254] in [0] : vector<16xf32>, vector<16xi32> -> vector<16xf32>
          %sub3A_256 = arith.subf %get3A_186, %gather3A_255 : vector<16xf32>
          %mul3A_257 = arith.mulf %sub3A_256, %sub3A_256 : vector<16xf32>
          %broadcast_in_dim3A_258 = vector.shape_cast %and3A_85 : vector<16xi32> to vector<16x1xi32>
          %gather3A_259 = vector.shape_cast %broadcast_in_dim3A_258 : vector<16x1xi32> to vector<16xi32>
          %gather3A_260 = tpu.dynamic_gather %get3A_222[%gather3A_259] in [0] : vector<16xf32>, vector<16xi32> -> vector<16xf32>
          %sub3A_261 = arith.subf %get3A_191, %gather3A_260 : vector<16xf32>
          %mul3A_262 = arith.mulf %sub3A_261, %sub3A_261 : vector<16xf32>
          %add3A_263 = arith.addf %mul3A_257, %mul3A_262 : vector<16xf32>
          %broadcast_in_dim3A_264 = vector.shape_cast %and3A_85 : vector<16xi32> to vector<16x1xi32>
          %gather3A_265 = vector.shape_cast %broadcast_in_dim3A_264 : vector<16x1xi32> to vector<16xi32>
          %gather3A_266 = tpu.dynamic_gather %get3A_227[%gather3A_265] in [0] : vector<16xf32>, vector<16xi32> -> vector<16xf32>
          %sub3A_267 = arith.subf %get3A_196, %gather3A_266 : vector<16xf32>
          %mul3A_268 = arith.mulf %sub3A_267, %sub3A_267 : vector<16xf32>
          %add3A_269 = arith.addf %add3A_263, %mul3A_268 : vector<16xf32>
          %min3A_270 = arith.minimumf %min3A_252, %add3A_269 : vector<16xf32>
          %broadcast_in_dim3A_271 = vector.shape_cast %and3A_91 : vector<16xi32> to vector<16x1xi32>
          %gather3A_272 = vector.shape_cast %broadcast_in_dim3A_271 : vector<16x1xi32> to vector<16xi32>
          %gather3A_273 = tpu.dynamic_gather %get3A_217[%gather3A_272] in [0] : vector<16xf32>, vector<16xi32> -> vector<16xf32>
          %sub3A_274 = arith.subf %get3A_186, %gather3A_273 : vector<16xf32>
          %mul3A_275 = arith.mulf %sub3A_274, %sub3A_274 : vector<16xf32>
          %broadcast_in_dim3A_276 = vector.shape_cast %and3A_91 : vector<16xi32> to vector<16x1xi32>
          %gather3A_277 = vector.shape_cast %broadcast_in_dim3A_276 : vector<16x1xi32> to vector<16xi32>
          %gather3A_278 = tpu.dynamic_gather %get3A_222[%gather3A_277] in [0] : vector<16xf32>, vector<16xi32> -> vector<16xf32>
          %sub3A_279 = arith.subf %get3A_191, %gather3A_278 : vector<16xf32>
          %mul3A_280 = arith.mulf %sub3A_279, %sub3A_279 : vector<16xf32>
          %add3A_281 = arith.addf %mul3A_275, %mul3A_280 : vector<16xf32>
          %broadcast_in_dim3A_282 = vector.shape_cast %and3A_91 : vector<16xi32> to vector<16x1xi32>
          %gather3A_283 = vector.shape_cast %broadcast_in_dim3A_282 : vector<16x1xi32> to vector<16xi32>
          %gather3A_284 = tpu.dynamic_gather %get3A_227[%gather3A_283] in [0] : vector<16xf32>, vector<16xi32> -> vector<16xf32>
          %sub3A_285 = arith.subf %get3A_196, %gather3A_284 : vector<16xf32>
          %mul3A_286 = arith.mulf %sub3A_285, %sub3A_285 : vector<16xf32>
          %add3A_287 = arith.addf %add3A_281, %mul3A_286 : vector<16xf32>
          %min3A_288 = arith.minimumf %min3A_270, %add3A_287 : vector<16xf32>
          %broadcast_in_dim3A_289 = vector.shape_cast %and3A_97 : vector<16xi32> to vector<16x1xi32>
          %gather3A_290 = vector.shape_cast %broadcast_in_dim3A_289 : vector<16x1xi32> to vector<16xi32>
          %gather3A_291 = tpu.dynamic_gather %get3A_217[%gather3A_290] in [0] : vector<16xf32>, vector<16xi32> -> vector<16xf32>
          %sub3A_292 = arith.subf %get3A_186, %gather3A_291 : vector<16xf32>
          %mul3A_293 = arith.mulf %sub3A_292, %sub3A_292 : vector<16xf32>
          %broadcast_in_dim3A_294 = vector.shape_cast %and3A_97 : vector<16xi32> to vector<16x1xi32>
          %gather3A_295 = vector.shape_cast %broadcast_in_dim3A_294 : vector<16x1xi32> to vector<16xi32>
          %gather3A_296 = tpu.dynamic_gather %get3A_222[%gather3A_295] in [0] : vector<16xf32>, vector<16xi32> -> vector<16xf32>
          %sub3A_297 = arith.subf %get3A_191, %gather3A_296 : vector<16xf32>
          %mul3A_298 = arith.mulf %sub3A_297, %sub3A_297 : vector<16xf32>
          %add3A_299 = arith.addf %mul3A_293, %mul3A_298 : vector<16xf32>
          %broadcast_in_dim3A_300 = vector.shape_cast %and3A_97 : vector<16xi32> to vector<16x1xi32>
          %gather3A_301 = vector.shape_cast %broadcast_in_dim3A_300 : vector<16x1xi32> to vector<16xi32>
          %gather3A_302 = tpu.dynamic_gather %get3A_227[%gather3A_301] in [0] : vector<16xf32>, vector<16xi32> -> vector<16xf32>
          %sub3A_303 = arith.subf %get3A_196, %gather3A_302 : vector<16xf32>
          %mul3A_304 = arith.mulf %sub3A_303, %sub3A_303 : vector<16xf32>
          %add3A_305 = arith.addf %add3A_299, %mul3A_304 : vector<16xf32>
          %min3A_306 = arith.minimumf %min3A_288, %add3A_305 : vector<16xf32>
          %broadcast_in_dim3A_307 = vector.shape_cast %and3A_103 : vector<16xi32> to vector<16x1xi32>
          %gather3A_308 = vector.shape_cast %broadcast_in_dim3A_307 : vector<16x1xi32> to vector<16xi32>
          %gather3A_309 = tpu.dynamic_gather %get3A_217[%gather3A_308] in [0] : vector<16xf32>, vector<16xi32> -> vector<16xf32>
          %sub3A_310 = arith.subf %get3A_186, %gather3A_309 : vector<16xf32>
          %mul3A_311 = arith.mulf %sub3A_310, %sub3A_310 : vector<16xf32>
          %broadcast_in_dim3A_312 = vector.shape_cast %and3A_103 : vector<16xi32> to vector<16x1xi32>
          %gather3A_313 = vector.shape_cast %broadcast_in_dim3A_312 : vector<16x1xi32> to vector<16xi32>
          %gather3A_314 = tpu.dynamic_gather %get3A_222[%gather3A_313] in [0] : vector<16xf32>, vector<16xi32> -> vector<16xf32>
          %sub3A_315 = arith.subf %get3A_191, %gather3A_314 : vector<16xf32>
          %mul3A_316 = arith.mulf %sub3A_315, %sub3A_315 : vector<16xf32>
          %add3A_317 = arith.addf %mul3A_311, %mul3A_316 : vector<16xf32>
          %broadcast_in_dim3A_318 = vector.shape_cast %and3A_103 : vector<16xi32> to vector<16x1xi32>
          %gather3A_319 = vector.shape_cast %broadcast_in_dim3A_318 : vector<16x1xi32> to vector<16xi32>
          %gather3A_320 = tpu.dynamic_gather %get3A_227[%gather3A_319] in [0] : vector<16xf32>, vector<16xi32> -> vector<16xf32>
          %sub3A_321 = arith.subf %get3A_196, %gather3A_320 : vector<16xf32>
          %mul3A_322 = arith.mulf %sub3A_321, %sub3A_321 : vector<16xf32>
          %add3A_323 = arith.addf %add3A_317, %mul3A_322 : vector<16xf32>
          %min3A_324 = arith.minimumf %min3A_306, %add3A_323 : vector<16xf32>
          %broadcast_in_dim3A_325 = vector.shape_cast %and3A_109 : vector<16xi32> to vector<16x1xi32>
          %gather3A_326 = vector.shape_cast %broadcast_in_dim3A_325 : vector<16x1xi32> to vector<16xi32>
          %gather3A_327 = tpu.dynamic_gather %get3A_217[%gather3A_326] in [0] : vector<16xf32>, vector<16xi32> -> vector<16xf32>
          %sub3A_328 = arith.subf %get3A_186, %gather3A_327 : vector<16xf32>
          %mul3A_329 = arith.mulf %sub3A_328, %sub3A_328 : vector<16xf32>
          %broadcast_in_dim3A_330 = vector.shape_cast %and3A_109 : vector<16xi32> to vector<16x1xi32>
          %gather3A_331 = vector.shape_cast %broadcast_in_dim3A_330 : vector<16x1xi32> to vector<16xi32>
          %gather3A_332 = tpu.dynamic_gather %get3A_222[%gather3A_331] in [0] : vector<16xf32>, vector<16xi32> -> vector<16xf32>
          %sub3A_333 = arith.subf %get3A_191, %gather3A_332 : vector<16xf32>
          %mul3A_334 = arith.mulf %sub3A_333, %sub3A_333 : vector<16xf32>
          %add3A_335 = arith.addf %mul3A_329, %mul3A_334 : vector<16xf32>
          %broadcast_in_dim3A_336 = vector.shape_cast %and3A_109 : vector<16xi32> to vector<16x1xi32>
          %gather3A_337 = vector.shape_cast %broadcast_in_dim3A_336 : vector<16x1xi32> to vector<16xi32>
          %gather3A_338 = tpu.dynamic_gather %get3A_227[%gather3A_337] in [0] : vector<16xf32>, vector<16xi32> -> vector<16xf32>
          %sub3A_339 = arith.subf %get3A_196, %gather3A_338 : vector<16xf32>
          %mul3A_340 = arith.mulf %sub3A_339, %sub3A_339 : vector<16xf32>
          %add3A_341 = arith.addf %add3A_335, %mul3A_340 : vector<16xf32>
          %min3A_342 = arith.minimumf %min3A_324, %add3A_341 : vector<16xf32>
          %broadcast_in_dim3A_343 = vector.shape_cast %and3A_115 : vector<16xi32> to vector<16x1xi32>
          %gather3A_344 = vector.shape_cast %broadcast_in_dim3A_343 : vector<16x1xi32> to vector<16xi32>
          %gather3A_345 = tpu.dynamic_gather %get3A_217[%gather3A_344] in [0] : vector<16xf32>, vector<16xi32> -> vector<16xf32>
          %sub3A_346 = arith.subf %get3A_186, %gather3A_345 : vector<16xf32>
          %mul3A_347 = arith.mulf %sub3A_346, %sub3A_346 : vector<16xf32>
          %broadcast_in_dim3A_348 = vector.shape_cast %and3A_115 : vector<16xi32> to vector<16x1xi32>
          %gather3A_349 = vector.shape_cast %broadcast_in_dim3A_348 : vector<16x1xi32> to vector<16xi32>
          %gather3A_350 = tpu.dynamic_gather %get3A_222[%gather3A_349] in [0] : vector<16xf32>, vector<16xi32> -> vector<16xf32>
          %sub3A_351 = arith.subf %get3A_191, %gather3A_350 : vector<16xf32>
          %mul3A_352 = arith.mulf %sub3A_351, %sub3A_351 : vector<16xf32>
          %add3A_353 = arith.addf %mul3A_347, %mul3A_352 : vector<16xf32>
          %broadcast_in_dim3A_354 = vector.shape_cast %and3A_115 : vector<16xi32> to vector<16x1xi32>
          %gather3A_355 = vector.shape_cast %broadcast_in_dim3A_354 : vector<16x1xi32> to vector<16xi32>
          %gather3A_356 = tpu.dynamic_gather %get3A_227[%gather3A_355] in [0] : vector<16xf32>, vector<16xi32> -> vector<16xf32>
          %sub3A_357 = arith.subf %get3A_196, %gather3A_356 : vector<16xf32>
          %mul3A_358 = arith.mulf %sub3A_357, %sub3A_357 : vector<16xf32>
          %add3A_359 = arith.addf %add3A_353, %mul3A_358 : vector<16xf32>
          %min3A_360 = arith.minimumf %min3A_342, %add3A_359 : vector<16xf32>
          %broadcast_in_dim3A_361 = vector.shape_cast %and3A_121 : vector<16xi32> to vector<16x1xi32>
          %gather3A_362 = vector.shape_cast %broadcast_in_dim3A_361 : vector<16x1xi32> to vector<16xi32>
          %gather3A_363 = tpu.dynamic_gather %get3A_217[%gather3A_362] in [0] : vector<16xf32>, vector<16xi32> -> vector<16xf32>
          %sub3A_364 = arith.subf %get3A_186, %gather3A_363 : vector<16xf32>
          %mul3A_365 = arith.mulf %sub3A_364, %sub3A_364 : vector<16xf32>
          %broadcast_in_dim3A_366 = vector.shape_cast %and3A_121 : vector<16xi32> to vector<16x1xi32>
          %gather3A_367 = vector.shape_cast %broadcast_in_dim3A_366 : vector<16x1xi32> to vector<16xi32>
          %gather3A_368 = tpu.dynamic_gather %get3A_222[%gather3A_367] in [0] : vector<16xf32>, vector<16xi32> -> vector<16xf32>
          %sub3A_369 = arith.subf %get3A_191, %gather3A_368 : vector<16xf32>
          %mul3A_370 = arith.mulf %sub3A_369, %sub3A_369 : vector<16xf32>
          %add3A_371 = arith.addf %mul3A_365, %mul3A_370 : vector<16xf32>
          %broadcast_in_dim3A_372 = vector.shape_cast %and3A_121 : vector<16xi32> to vector<16x1xi32>
          %gather3A_373 = vector.shape_cast %broadcast_in_dim3A_372 : vector<16x1xi32> to vector<16xi32>
          %gather3A_374 = tpu.dynamic_gather %get3A_227[%gather3A_373] in [0] : vector<16xf32>, vector<16xi32> -> vector<16xf32>
          %sub3A_375 = arith.subf %get3A_196, %gather3A_374 : vector<16xf32>
          %mul3A_376 = arith.mulf %sub3A_375, %sub3A_375 : vector<16xf32>
          %add3A_377 = arith.addf %add3A_371, %mul3A_376 : vector<16xf32>
          %min3A_378 = arith.minimumf %min3A_360, %add3A_377 : vector<16xf32>
          %broadcast_in_dim3A_379 = vector.shape_cast %and3A_127 : vector<16xi32> to vector<16x1xi32>
          %gather3A_380 = vector.shape_cast %broadcast_in_dim3A_379 : vector<16x1xi32> to vector<16xi32>
          %gather3A_381 = tpu.dynamic_gather %get3A_217[%gather3A_380] in [0] : vector<16xf32>, vector<16xi32> -> vector<16xf32>
          %sub3A_382 = arith.subf %get3A_186, %gather3A_381 : vector<16xf32>
          %mul3A_383 = arith.mulf %sub3A_382, %sub3A_382 : vector<16xf32>
          %broadcast_in_dim3A_384 = vector.shape_cast %and3A_127 : vector<16xi32> to vector<16x1xi32>
          %gather3A_385 = vector.shape_cast %broadcast_in_dim3A_384 : vector<16x1xi32> to vector<16xi32>
          %gather3A_386 = tpu.dynamic_gather %get3A_222[%gather3A_385] in [0] : vector<16xf32>, vector<16xi32> -> vector<16xf32>
          %sub3A_387 = arith.subf %get3A_191, %gather3A_386 : vector<16xf32>
          %mul3A_388 = arith.mulf %sub3A_387, %sub3A_387 : vector<16xf32>
          %add3A_389 = arith.addf %mul3A_383, %mul3A_388 : vector<16xf32>
          %broadcast_in_dim3A_390 = vector.shape_cast %and3A_127 : vector<16xi32> to vector<16x1xi32>
          %gather3A_391 = vector.shape_cast %broadcast_in_dim3A_390 : vector<16x1xi32> to vector<16xi32>
          %gather3A_392 = tpu.dynamic_gather %get3A_227[%gather3A_391] in [0] : vector<16xf32>, vector<16xi32> -> vector<16xf32>
          %sub3A_393 = arith.subf %get3A_196, %gather3A_392 : vector<16xf32>
          %mul3A_394 = arith.mulf %sub3A_393, %sub3A_393 : vector<16xf32>
          %add3A_395 = arith.addf %add3A_389, %mul3A_394 : vector<16xf32>
          %min3A_396 = arith.minimumf %min3A_378, %add3A_395 : vector<16xf32>
          %broadcast_in_dim3A_397 = vector.shape_cast %and3A_133 : vector<16xi32> to vector<16x1xi32>
          %gather3A_398 = vector.shape_cast %broadcast_in_dim3A_397 : vector<16x1xi32> to vector<16xi32>
          %gather3A_399 = tpu.dynamic_gather %get3A_217[%gather3A_398] in [0] : vector<16xf32>, vector<16xi32> -> vector<16xf32>
          %sub3A_400 = arith.subf %get3A_186, %gather3A_399 : vector<16xf32>
          %mul3A_401 = arith.mulf %sub3A_400, %sub3A_400 : vector<16xf32>
          %broadcast_in_dim3A_402 = vector.shape_cast %and3A_133 : vector<16xi32> to vector<16x1xi32>
          %gather3A_403 = vector.shape_cast %broadcast_in_dim3A_402 : vector<16x1xi32> to vector<16xi32>
          %gather3A_404 = tpu.dynamic_gather %get3A_222[%gather3A_403] in [0] : vector<16xf32>, vector<16xi32> -> vector<16xf32>
          %sub3A_405 = arith.subf %get3A_191, %gather3A_404 : vector<16xf32>
          %mul3A_406 = arith.mulf %sub3A_405, %sub3A_405 : vector<16xf32>
          %add3A_407 = arith.addf %mul3A_401, %mul3A_406 : vector<16xf32>
          %broadcast_in_dim3A_408 = vector.shape_cast %and3A_133 : vector<16xi32> to vector<16x1xi32>
          %gather3A_409 = vector.shape_cast %broadcast_in_dim3A_408 : vector<16x1xi32> to vector<16xi32>
          %gather3A_410 = tpu.dynamic_gather %get3A_227[%gather3A_409] in [0] : vector<16xf32>, vector<16xi32> -> vector<16xf32>
          %sub3A_411 = arith.subf %get3A_196, %gather3A_410 : vector<16xf32>
          %mul3A_412 = arith.mulf %sub3A_411, %sub3A_411 : vector<16xf32>
          %add3A_413 = arith.addf %add3A_407, %mul3A_412 : vector<16xf32>
          %min3A_414 = arith.minimumf %min3A_396, %add3A_413 : vector<16xf32>
          %broadcast_in_dim3A_415 = vector.shape_cast %and3A_139 : vector<16xi32> to vector<16x1xi32>
          %gather3A_416 = vector.shape_cast %broadcast_in_dim3A_415 : vector<16x1xi32> to vector<16xi32>
          %gather3A_417 = tpu.dynamic_gather %get3A_217[%gather3A_416] in [0] : vector<16xf32>, vector<16xi32> -> vector<16xf32>
          %sub3A_418 = arith.subf %get3A_186, %gather3A_417 : vector<16xf32>
          %mul3A_419 = arith.mulf %sub3A_418, %sub3A_418 : vector<16xf32>
          %broadcast_in_dim3A_420 = vector.shape_cast %and3A_139 : vector<16xi32> to vector<16x1xi32>
          %gather3A_421 = vector.shape_cast %broadcast_in_dim3A_420 : vector<16x1xi32> to vector<16xi32>
          %gather3A_422 = tpu.dynamic_gather %get3A_222[%gather3A_421] in [0] : vector<16xf32>, vector<16xi32> -> vector<16xf32>
          %sub3A_423 = arith.subf %get3A_191, %gather3A_422 : vector<16xf32>
          %mul3A_424 = arith.mulf %sub3A_423, %sub3A_423 : vector<16xf32>
          %add3A_425 = arith.addf %mul3A_419, %mul3A_424 : vector<16xf32>
          %broadcast_in_dim3A_426 = vector.shape_cast %and3A_139 : vector<16xi32> to vector<16x1xi32>
          %gather3A_427 = vector.shape_cast %broadcast_in_dim3A_426 : vector<16x1xi32> to vector<16xi32>
          %gather3A_428 = tpu.dynamic_gather %get3A_227[%gather3A_427] in [0] : vector<16xf32>, vector<16xi32> -> vector<16xf32>
          %sub3A_429 = arith.subf %get3A_196, %gather3A_428 : vector<16xf32>
          %mul3A_430 = arith.mulf %sub3A_429, %sub3A_429 : vector<16xf32>
          %add3A_431 = arith.addf %add3A_425, %mul3A_430 : vector<16xf32>
          %min3A_432 = arith.minimumf %min3A_414, %add3A_431 : vector<16xf32>
          %broadcast_in_dim3A_433 = vector.shape_cast %and3A_145 : vector<16xi32> to vector<16x1xi32>
          %gather3A_434 = vector.shape_cast %broadcast_in_dim3A_433 : vector<16x1xi32> to vector<16xi32>
          %gather3A_435 = tpu.dynamic_gather %get3A_217[%gather3A_434] in [0] : vector<16xf32>, vector<16xi32> -> vector<16xf32>
          %sub3A_436 = arith.subf %get3A_186, %gather3A_435 : vector<16xf32>
          %mul3A_437 = arith.mulf %sub3A_436, %sub3A_436 : vector<16xf32>
          %broadcast_in_dim3A_438 = vector.shape_cast %and3A_145 : vector<16xi32> to vector<16x1xi32>
          %gather3A_439 = vector.shape_cast %broadcast_in_dim3A_438 : vector<16x1xi32> to vector<16xi32>
          %gather3A_440 = tpu.dynamic_gather %get3A_222[%gather3A_439] in [0] : vector<16xf32>, vector<16xi32> -> vector<16xf32>
          %sub3A_441 = arith.subf %get3A_191, %gather3A_440 : vector<16xf32>
          %mul3A_442 = arith.mulf %sub3A_441, %sub3A_441 : vector<16xf32>
          %add3A_443 = arith.addf %mul3A_437, %mul3A_442 : vector<16xf32>
          %broadcast_in_dim3A_444 = vector.shape_cast %and3A_145 : vector<16xi32> to vector<16x1xi32>
          %gather3A_445 = vector.shape_cast %broadcast_in_dim3A_444 : vector<16x1xi32> to vector<16xi32>
          %gather3A_446 = tpu.dynamic_gather %get3A_227[%gather3A_445] in [0] : vector<16xf32>, vector<16xi32> -> vector<16xf32>
          %sub3A_447 = arith.subf %get3A_196, %gather3A_446 : vector<16xf32>
          %mul3A_448 = arith.mulf %sub3A_447, %sub3A_447 : vector<16xf32>
          %add3A_449 = arith.addf %add3A_443, %mul3A_448 : vector<16xf32>
          %min3A_450 = arith.minimumf %min3A_432, %add3A_449 : vector<16xf32>
          %broadcast_in_dim3A_451 = vector.shape_cast %and3A_151 : vector<16xi32> to vector<16x1xi32>
          %gather3A_452 = vector.shape_cast %broadcast_in_dim3A_451 : vector<16x1xi32> to vector<16xi32>
          %gather3A_453 = tpu.dynamic_gather %get3A_217[%gather3A_452] in [0] : vector<16xf32>, vector<16xi32> -> vector<16xf32>
          %sub3A_454 = arith.subf %get3A_186, %gather3A_453 : vector<16xf32>
          %mul3A_455 = arith.mulf %sub3A_454, %sub3A_454 : vector<16xf32>
          %broadcast_in_dim3A_456 = vector.shape_cast %and3A_151 : vector<16xi32> to vector<16x1xi32>
          %gather3A_457 = vector.shape_cast %broadcast_in_dim3A_456 : vector<16x1xi32> to vector<16xi32>
          %gather3A_458 = tpu.dynamic_gather %get3A_222[%gather3A_457] in [0] : vector<16xf32>, vector<16xi32> -> vector<16xf32>
          %sub3A_459 = arith.subf %get3A_191, %gather3A_458 : vector<16xf32>
          %mul3A_460 = arith.mulf %sub3A_459, %sub3A_459 : vector<16xf32>
          %add3A_461 = arith.addf %mul3A_455, %mul3A_460 : vector<16xf32>
          %broadcast_in_dim3A_462 = vector.shape_cast %and3A_151 : vector<16xi32> to vector<16x1xi32>
          %gather3A_463 = vector.shape_cast %broadcast_in_dim3A_462 : vector<16x1xi32> to vector<16xi32>
          %gather3A_464 = tpu.dynamic_gather %get3A_227[%gather3A_463] in [0] : vector<16xf32>, vector<16xi32> -> vector<16xf32>
          %sub3A_465 = arith.subf %get3A_196, %gather3A_464 : vector<16xf32>
          %mul3A_466 = arith.mulf %sub3A_465, %sub3A_465 : vector<16xf32>
          %add3A_467 = arith.addf %add3A_461, %mul3A_466 : vector<16xf32>
          %min3A_468 = arith.minimumf %min3A_450, %add3A_467 : vector<16xf32>
          %broadcast_in_dim3A_469 = vector.shape_cast %and3A_157 : vector<16xi32> to vector<16x1xi32>
          %gather3A_470 = vector.shape_cast %broadcast_in_dim3A_469 : vector<16x1xi32> to vector<16xi32>
          %gather3A_471 = tpu.dynamic_gather %get3A_217[%gather3A_470] in [0] : vector<16xf32>, vector<16xi32> -> vector<16xf32>
          %sub3A_472 = arith.subf %get3A_186, %gather3A_471 : vector<16xf32>
          %mul3A_473 = arith.mulf %sub3A_472, %sub3A_472 : vector<16xf32>
          %broadcast_in_dim3A_474 = vector.shape_cast %and3A_157 : vector<16xi32> to vector<16x1xi32>
          %gather3A_475 = vector.shape_cast %broadcast_in_dim3A_474 : vector<16x1xi32> to vector<16xi32>
          %gather3A_476 = tpu.dynamic_gather %get3A_222[%gather3A_475] in [0] : vector<16xf32>, vector<16xi32> -> vector<16xf32>
          %sub3A_477 = arith.subf %get3A_191, %gather3A_476 : vector<16xf32>
          %mul3A_478 = arith.mulf %sub3A_477, %sub3A_477 : vector<16xf32>
          %add3A_479 = arith.addf %mul3A_473, %mul3A_478 : vector<16xf32>
          %broadcast_in_dim3A_480 = vector.shape_cast %and3A_157 : vector<16xi32> to vector<16x1xi32>
          %gather3A_481 = vector.shape_cast %broadcast_in_dim3A_480 : vector<16x1xi32> to vector<16xi32>
          %gather3A_482 = tpu.dynamic_gather %get3A_227[%gather3A_481] in [0] : vector<16xf32>, vector<16xi32> -> vector<16xf32>
          %sub3A_483 = arith.subf %get3A_196, %gather3A_482 : vector<16xf32>
          %mul3A_484 = arith.mulf %sub3A_483, %sub3A_483 : vector<16xf32>
          %add3A_485 = arith.addf %add3A_479, %mul3A_484 : vector<16xf32>
          %min3A_486 = arith.minimumf %min3A_468, %add3A_485 : vector<16xf32>
          %broadcast_in_dim3A_487 = vector.shape_cast %and3A_163 : vector<16xi32> to vector<16x1xi32>
          %gather3A_488 = vector.shape_cast %broadcast_in_dim3A_487 : vector<16x1xi32> to vector<16xi32>
          %gather3A_489 = tpu.dynamic_gather %get3A_217[%gather3A_488] in [0] : vector<16xf32>, vector<16xi32> -> vector<16xf32>
          %sub3A_490 = arith.subf %get3A_186, %gather3A_489 : vector<16xf32>
          %mul3A_491 = arith.mulf %sub3A_490, %sub3A_490 : vector<16xf32>
          %broadcast_in_dim3A_492 = vector.shape_cast %and3A_163 : vector<16xi32> to vector<16x1xi32>
          %gather3A_493 = vector.shape_cast %broadcast_in_dim3A_492 : vector<16x1xi32> to vector<16xi32>
          %gather3A_494 = tpu.dynamic_gather %get3A_222[%gather3A_493] in [0] : vector<16xf32>, vector<16xi32> -> vector<16xf32>
          %sub3A_495 = arith.subf %get3A_191, %gather3A_494 : vector<16xf32>
          %mul3A_496 = arith.mulf %sub3A_495, %sub3A_495 : vector<16xf32>
          %add3A_497 = arith.addf %mul3A_491, %mul3A_496 : vector<16xf32>
          %broadcast_in_dim3A_498 = vector.shape_cast %and3A_163 : vector<16xi32> to vector<16x1xi32>
          %gather3A_499 = vector.shape_cast %broadcast_in_dim3A_498 : vector<16x1xi32> to vector<16xi32>
          %gather3A_500 = tpu.dynamic_gather %get3A_227[%gather3A_499] in [0] : vector<16xf32>, vector<16xi32> -> vector<16xf32>
          %sub3A_501 = arith.subf %get3A_196, %gather3A_500 : vector<16xf32>
          %mul3A_502 = arith.mulf %sub3A_501, %sub3A_501 : vector<16xf32>
          %add3A_503 = arith.addf %add3A_497, %mul3A_502 : vector<16xf32>
          %min3A_504 = arith.minimumf %min3A_486, %add3A_503 : vector<16xf32>
          scf.yield %min3A_504 : vector<16xf32>
        }
        %scan3A_202 = arith.constant 128 : i32
        %mul3A_203 = arith.constant 16 : i32
        %mul3A_204 = arith.muli %scan3A_178, %mul3A_203 : i32
        %swap3A = arith.index_cast %mul3A_204 : i32 to index
        %swap3A_205 = tpu.vector_load %arg8[%swap3A] {strides = array<i32>} : memref<1024xf32, #tpu.memory_space<vmem>>, vector<16xf32>,
        %swap3A_206 = vector.shape_cast %swap3A_205 : vector<16xf32> to vector<16xf32>
        %swap3A_207 = vector.shape_cast %scan3A_201 : vector<16xf32> to vector<16xf32>
        tpu.vector_store %arg8[%swap3A], %swap3A_207 {strides = array<i32>} : memref<1024xf32, #tpu.memory_space<vmem>>, vector<16xf32>,
        %scan3A_208 = arith.constant 0 : i32
        scf.yield %scan3A_208 : i32
      }
      %scan3A_177 = arith.constant 64 : i32
      "tpu.region"() ({
        %run_scoped3A = tpu.sem_alloc : memref<!tpu.dma_semaphore, #tpu.memory_space<semaphore_mem>>
        %dma_start3A = tpu.memref_slice %arg5[%select_n3A_54, %mul3A_72] : memref<8x2048xf32, #tpu.memory_space<hbm>> -> memref<1x1024xf32, #tpu.memory_space<hbm>>
        %dma_start3A_178 = tpu.memref_squeeze %dma_start3A : memref<1x1024xf32, #tpu.memory_space<hbm>> -> memref<1024xf32, #tpu.memory_space<hbm>>
        %dma_start3A_179 = tpu.memref_slice %arg5[%select_n3A_54, %mul3A_72] : memref<8x2048xf32, #tpu.memory_space<hbm>> -> memref<1x1024xf32, #tpu.memory_space<hbm>>
        %dma_start3A_180 = tpu.memref_squeeze %dma_start3A_179 : memref<1x1024xf32, #tpu.memory_space<hbm>> -> memref<1024xf32, #tpu.memory_space<hbm>>
        tpu.enqueue_dma source(%arg8 : memref<1024xf32, #tpu.memory_space<vmem>>) target(%dma_start3A_180 : memref<1024xf32, #tpu.memory_space<hbm>>) target_semaphore(%run_scoped3A : memref<!tpu.dma_semaphore, #tpu.memory_space<semaphore_mem>>)
        %dma_wait3A = tpu.memref_slice %arg5[%select_n3A_54, %mul3A_72] : memref<8x2048xf32, #tpu.memory_space<hbm>> -> memref<1x1024xf32, #tpu.memory_space<hbm>>
        %dma_wait3A_181 = tpu.memref_squeeze %dma_wait3A : memref<1x1024xf32, #tpu.memory_space<hbm>> -> memref<1024xf32, #tpu.memory_space<hbm>>
        %dma_wait3A_182 = tpu.memref_slice %arg5[%select_n3A_54, %mul3A_72] : memref<8x2048xf32, #tpu.memory_space<hbm>> -> memref<1x1024xf32, #tpu.memory_space<hbm>>
        %dma_wait3A_183 = tpu.memref_squeeze %dma_wait3A_182 : memref<1x1024xf32, #tpu.memory_space<hbm>> -> memref<1024xf32, #tpu.memory_space<hbm>>
        tpu.wait_dma2 semaphore(%run_scoped3A : memref<!tpu.dma_semaphore, #tpu.memory_space<semaphore_mem>>) src(%arg8 : memref<1024xf32, #tpu.memory_space<vmem>>) dst(%dma_wait3A_183 : memref<1024xf32, #tpu.memory_space<hbm>>)
        tpu.yield
      }) : () -> ()
    } else {
    }
    return
  }
}

</mosaic_0001>

<sc_bundles>
// kernel: kernel.3.cloned.1.call-start
scs
__scs_entry_jumppad:
0x0: {  	(pc) =	sbr.rel $0x88, $3  }
0x1: {  	(tag) =	ssettag $0x0;
	lr =	simm.s32 $0x1  }
0x2: {  	[smem:$0x3F9F] =	sst lr;
	_ =	strace $0xD0000000  }
0x3: {  	_ = 	snop  }
0x4: {  	_ = 	snop  }
0x5: {  	_ = 	snop  }
0x6: {  	_ = 	snop  }
0x7: {  	_ = 	snop  }
__scs_overlays_trampoline_lowered:
0x8: {  	[smem:$0x3FAE] =	sst s0  }
0x9: {  	[smem:$0x3FAF] =	sst s1  }
0xa: {  	[smem:$0x3FB0] =	sst s2  }
0xb: {  	[smem:$0x3FB1] =	sst s3  }
0xc: {  	[smem:$0x3FB2] =	sst s4  }
0xd: {  	[smem:$0x3FB3] =	sst s5  }
0xe: {  	[smem:$0x3FB4] =	sst s6  }
0xf: {  	[smem:$0x3FB5] =	sst s7  }
0x10: {  	[smem:$0x3FB6] =	sst s8  }
0x11: {  	[smem:$0x3FB7] =	sst s9;
	s0 =	simm.s32 @!p0 $0x0  }
0x12: {  	s1 =	sld [smem:$0x3F9D];
	s0 =	simm.s32 @p0 $0x1  }
0x13: {  	[smem:$0x3FB8] =	sst s0;
	s0 =	simm.s32 @!p1 $0x0  }
0x14: {  	s2 =	sld [smem:$0x3F9C];
	s0 =	simm.s32 @p1 $0x1  }
0x15: {  	[smem:$0x3FB9] =	sst s0;
	s0 =	simm.s32 @!p2 $0x0  }
0x16: {  	s3 =	sld [smem:$0x3FDB];
	s0 =	simm.s32 @p2 $0x1  }
0x17: {  	s4 =	simm.s32 $0x1BF5;
	[smem:$0x3FBB] =	sst s0  }
0x18: {  	s0 =	sld [smem:$0x3F9E];
	_ =	swait.ge [sflag:s4], $0x0  }
0x19: {  	s7 =	sld [smem:$0x3F9F]  }
0x1a: {  	s8 =	sadd.s32 $0xFFFFE003, lr  }
0x1b: {  	s9 =	sadd.s32 $0xFFFFFEF7, lr;
	s5 =	simm.s32 $0xFFFFFFFF;
	p2 =	slt.u32 s8, $0xFFFFF086  }
0x1c: {  	p1 =	slt.u32 s9, $0xF7A;
	s5 =	simm.s32 @!p2 $0x0  }
0x1d: {  	s5 =	simm.s32 @p1 $0x1;
	p0 =	seq.s32 s7, s2  }
0x1e: {  	s7 =	smul.u32 @!p0 $0xF7A, s2;
	p2 =	seq.s32 @!p0 s5, $0x0  }
0x1f: {  	s9 =	smul.u32 $0xF7A, s1;
	s8 =	simm.s32 @!p0 $0x1BF5;
	p2 =	por !p2, p0  }
0x20: {  	[sflag:s8] =	ssyncset.s32 @!p0 $0xFFFFF086;
	s6 =	sadd.s32 @!p0 s3, s7;
	s7 =	simm.s32 @!p0 $0x108  }
0x21: {  	s3 =	sadd.s32 s3, s9;
	s6 =	sadd.s32 @!p0 $0x88, s6;
	s7 =	simm.s32 @p2 $0x1082  }
0x22: {  	[simem:s7], [sflag:s8] =	dma.local @!p0 [hbm:s6], $0xF7A  }
0x23: {  	s9 =	sor.u32 $0xD0000000, s2;
	s6 =	simm.s32 $0x108;
	_ =	swait.ge @!p0 [sflag:s8], $0x0  }
0x24: {  	s3 =	sadd.s32 $0x88, s3;
	s6 =	simm.s32 @!p1 $0x1082;
	[sflag:s4] =	ssyncset.s32 $0xFFFFF086  }
0x25: {  	[simem:s6], [sflag:s4] =	dma.local [hbm:s3], $0xF7A  }
0x26: {  	[smem:$0x3F9F] =	sst s1;
	(tag) =	ssettag s2;
	_ =	strace s9  }
0x27: {  	s1 =	sld [smem:$0x3FAF]  }
0x28: {  	s2 =	sld [smem:$0x3FB0]  }
0x29: {  	s4 =	sld [smem:$0x3FB2]  }
0x2a: {  	p0 =	seq.s32 s5, $0x0;
	s5 =	sld [smem:$0x3FB3]  }
0x2b: {  	s6 =	sld [smem:$0x3FB4]  }
0x2c: {  	s7 =	sld [smem:$0x3FB5]  }
0x2d: {  	s3 =	simm.s32 $0x108;
	s8 =	sld [smem:$0x3FB6]  }
0x2e: {  	s3 =	simm.s32 @!p0 $0x1082;
	s9 =	sld [smem:$0x3FB7]  }
0x2f: {  	lr =	sadd.s32 s0, s3;
	s0 =	sld [smem:$0x3FAE]  }
0x30: {  	s3 =	sld [smem:$0x3FB1]  }
0x31: {  	[smem:$0x3FBA] =	sst s10  }
0x32: {  	s10 =	sld [smem:$0x3FB8];
	_ =	sdelay $0x3  }
0x33: {  	p0 =	seq.s32 s10, $0x1;
	s10 =	sld [smem:$0x3FBA];
	_ =	sdelay $0x3  }
0x34: {  	[smem:$0x3FBA] =	sst s10  }
0x35: {  	s10 =	sld [smem:$0x3FB9];
	_ =	sdelay $0x3  }
0x36: {  	p1 =	seq.s32 s10, $0x1;
	s10 =	sld [smem:$0x3FBA];
	_ =	sdelay $0x3  }
0x37: {  	[smem:$0x3FBA] =	sst s10  }
0x38: {  	s10 =	sld [smem:$0x3FBB]  }
0x39: {  	_ = 	snop;
	(pc) =	sbr.ind lr, $3  }
0x3a: {  	_ = 	snop  }
0x3b: {  	_ = 	snop  }
0x3c: {  	p2 =	seq.s32 s10, $0x1;
	s10 =	sld [smem:$0x3FBA]  }
0x3d: {  	_ =	shalt  }
0x3e: {  	_ =	shalt  }
0x3f: {  	_ =	shalt  }
0x40: {  	_ =	shalt  }
0x41: {  	_ =	shalt  }
0x42: {  	_ =	shalt  }
0x43: {  	_ =	shalt  }
0x44: {  	_ =	shalt  }
0x45: {  	_ =	shalt  }
0x46: {  	_ =	shalt  }
0x47: {  	_ =	shalt  }
0x48: {  	_ =	shalt  }
0x49: {  	_ =	shalt  }
0x4a: {  	_ =	shalt  }
0x4b: {  	_ =	shalt  }
0x4c: {  	_ =	shalt  }
0x4d: {  	_ =	shalt  }
0x4e: {  	_ =	shalt  }
0x4f: {  	_ =	shalt  }
0x50: {  	_ =	shalt  }
0x51: {  	_ =	shalt  }
0x52: {  	_ =	shalt  }
0x53: {  	_ =	shalt  }
0x54: {  	_ =	shalt  }
0x55: {  	_ =	shalt  }
0x56: {  	_ =	shalt  }
0x57: {  	_ =	shalt  }
0x58: {  	_ =	shalt  }
0x59: {  	_ =	shalt  }
0x5a: {  	_ =	shalt  }
0x5b: {  	_ =	shalt  }
0x5c: {  	_ =	shalt  }
0x5d: {  	_ =	shalt  }
0x5e: {  	_ =	shalt  }
0x5f: {  	_ =	shalt  }
0x60: {  	_ =	shalt  }
0x61: {  	_ =	shalt  }
0x62: {  	_ =	shalt  }
0x63: {  	_ =	shalt  }
0x64: {  	_ =	shalt  }
0x65: {  	_ =	shalt  }
0x66: {  	_ =	shalt  }
0x67: {  	_ =	shalt  }
0x68: {  	_ =	shalt  }
0x69: {  	_ =	shalt  }
0x6a: {  	_ =	shalt  }
0x6b: {  	_ =	shalt  }
0x6c: {  	_ =	shalt  }
0x6d: {  	_ =	shalt  }
0x6e: {  	_ =	shalt  }
0x6f: {  	_ =	shalt  }
0x70: {  	_ =	shalt  }
0x71: {  	_ =	shalt  }
0x72: {  	_ =	shalt  }
0x73: {  	_ =	shalt  }
0x74: {  	_ =	shalt  }
0x75: {  	_ =	shalt  }
0x76: {  	_ =	shalt  }
0x77: {  	_ =	shalt  }
0x78: {  	_ =	shalt  }
0x79: {  	_ =	shalt  }
0x7a: {  	_ =	shalt  }
0x7b: {  	_ =	shalt  }
0x7c: {  	_ =	shalt  }
0x7d: {  	_ =	shalt  }
0x7e: {  	_ =	shalt  }
0x7f: {  	_ =	shalt  }
0x80: {  	_ =	shalt  }
0x81: {  	_ =	shalt  }
0x82: {  	_ =	shalt  }
0x83: {  	_ =	shalt  }
0x84: {  	_ =	shalt  }
0x85: {  	_ =	shalt  }
0x86: {  	_ =	shalt  }
0x87: {  	_ =	shalt  }
.Lfunc_end0:
.L_simem_size_0:
called_computation_lowered:
.L_overlay_start_0:
0x88: {  	s2 =	sld [smem:$0x3FD9]  }
0x89: {  	s3 =	sld [smem:$0x3FFE];
	_ =	sdelay $0x1  }
0x8a: {  	s1 =	srdreg.scid  }
0x8b: {  	s0 =	sand.u32 $0x1, s1  }
0x8c: {  	s14 =	sshll.u32 s0, $0xA;
	s2 =	sadd.s32 s3, s2  }
0x8d: {  	s2 =	sadd.s32 s2, s14  }
0x8e: {  	[smem:$0x3FC6] =	sst s2  }
0x8f: {  	_ = 	snop  }
0x90: {  	s2 =	sld [smem:$0x3FD0];
	_ =	sdelay $0x2  }
0x91: {  	s15 =	simm.s32 $0xA;
	s4 =	simm.s32 $0x10  }
0x92: {  	[smem:s4], [sflag:s15] =	dma.local [hbm:s2], $0x1  }
0x93: {  	_ =	swait.eq [sflag:s15], $0x1  }
0x94: {  	[sflag:s15] =	ssyncset.done $0x0  }
0x95: {  	s16 =	sld [smem:$0x10];
	[sflag:s15] =	ssyncadd.s32 $0xFFFFFFFF  }
0x96: {  	s17 =	sld [smem:$0x11];
	(tm) =	ssettm $0x1  }
0x97: {  	s18 =	sld [smem:$0x3FFB];
	_ =	sdelay $0x3  }
0x98: {  	_ =	strace s18  }
0x99: {  	s4 =	sld [smem:$0x3FFC];
	_ =	sdelay $0x3  }
0x9a: {  	_ =	strace s4  }
0x9b: {  	s4 =	sld [smem:$0x3FFD];
	_ =	sdelay $0x3  }
0x9c: {  	_ =	strace s4  }
0x9d: {  	_ =	strace $0x8FFFFFFF  }
0x9e: {  	s19 =	sld [smem:$0x3FDB];
	_ =	sdelay $0x1  }
0x9f: {  	s5 =	simm.s32 $_scs_section_size  }
0xa0: {  	s6 =	simm.s32 $_size__tile_overlayer_lowered;
	s7 =	simm.s32 $_tile_overlayer_lowered  }
0xa1: {  	s22 =	simm.s32 $0x1BFF;
	s21 =	sshll.u32 s7, $0x1;
	s4 =	sadd.s32 s5, s19  }
0xa2: {  	s8 =	simm.s32 $0x0;
	s20 =	sshll.u32 s6, $0x1;
	s6 =	sadd.s32 s21, s4  }
0xa3: {  	[timem:s8], [sflag:s22] =	dma.local [hbm:s6], s20  }
0xa4: {  	_ =	swait.ge [sflag:s22], s20  }
0xa5: {  	s5 =	ssub.s32 $0x0, s20;
	[sflag:s22] =	ssyncset.done $0x0  }
0xa6: {  	[sflag:s22] =	ssyncadd.s32 s5;
	_ =	sdelay $0x1  }
0xa7: {  	s23 =	simm.s32 $0x1B8B  }
0xa8: {  	_ =	swait.ge [sflag:s23], $0x1  }
0xa9: {  	[sflag:s23] =	ssyncset.done $0x0  }
0xaa: {  	s25 =	simm.s32 $0x1B8E;
	s24 =	sld [smem:$0x3FFE];
	[sflag:s23] =	ssyncadd.s32 $0xFFFFFFFF  }
0xab: {  	s26 =	simm.s32 $execute0_lowered;
	[smem:$0x3FD2] =	sst s25  }
0xac: {  	s6 =	sshll.u32 s26, $0x1;
	_ =	strace $0x80000046;
	[dreg:$0x1] =	wrdreg $0xFFFFFFFF  }
0xad: {  	s28 =	simm.s32 $_size_execute0_lowered;
	s4 =	sadd.s32 s4, s6;
	[dreg:$0x0] =	wrdreg $0x0  }
0xae: {  	s6 =	sshll.u32 s28, $0x1;
	[dreg:$0x2] =	wrdreg s4  }
0xaf: {  	[dreg:$0x3] =	wrdreg s6  }
0xb0: {  	[dreg:$0x4] =	wrdreg $0xC0  }
0xb1: {  	_ =	task [dreg:s8], $0x5FFFF  }
0xb2: {  	[dreg:$0x1] =	wrdreg $0xFFFFFFFF  }
0xb3: {  	[dreg:$0x0] =	wrdreg $0x60  }
0xb4: {  	[dreg:$0x2] =	wrdreg s24  }
0xb5: {  	[dreg:$0x3] =	wrdreg s16  }
0xb6: {  	[dreg:$0x4] =	wrdreg s17  }
0xb7: {  	[dreg:$0x5] =	wrdreg $0x9  }
0xb8: {  	_ =	task.clear_ibuf [dreg:s8], $0x6FFFF;
	_ =	strace $0x90000046  }
0xb9: {  	s29 =	simm.s32 $0x9;
	_ =	strace $0x80000048  }
0xba: {  	_ =	swait.ge [sflag:s29], $0x1  }
0xbb: {  	[sflag:s29] =	ssyncadd.s32 $0xFFFFFFFF  }
0xbc: {  	_ =	strace $0x90000048  }
0xbd: {  	_ =	sfence  }
0xbe: {  	s30 =	sld [smem:$0x0];
	_ =	sdelay $0x2  }
0xbf: {  	s31 =	sshll.u32 s1, $0xD;
	s1 =	sshrl.u32 s1, $0x2  }
0xc0: {  	s3 =	sand.u32 $0x4000, s31;
	s1 =	sadd.s32 s1, s30  }
0xc1: {  	s0 =	sor.u32 s3, s0;
	s1 =	sshll.u32 s1, $0x11  }
0xc2: {  	s0 =	sor.u32 s1, s0  }
0xc3: {  	s0 =	sadd.s32 $0x8F2B, s0  }
0xc4: {  	[sflag:s0] =	ssyncadd.remote.s32 $0x1  }
0xc5: {  	_ =	sfence.sel $0xFFFF  }
0xc6: {  	[dreg:$0x0] =	wrdreg $0xFFFFFFFF;
	(pc) =	sbr.abs _section_cstart, $3  }
0xc7: {  	[dreg:$0x1] =	wrdreg $0xFFFFFFFF  }
0xc8: {  	_ =	task.clear_ibuf [dreg:s8], $0x2FFFF;
	_ =	strace $0x9FFFFFFF  }
0xc9: {  	(tm) =	ssettm $0x7FFFFFFF  }
tec
execute0_lowered:
.L_overlay_start_1:
0x0: {  	(tag) =	ssettag $0x1  }
0x1: {  	v0 =	vimm.s32 $0xFEDCBA9;
	v1 =	vimm.s32 $0x87654321;
	v2 =	vimm.s32 $0x98765432  }
0x2: {  	v3 =	vimm.s32 $0x210FEDCB;
	v4 =	vimm.s32 $0xA9876543;
	v14 =	vimm.s32 $0xCBA98765  }
0x3: {  	v16 =	vimm.s32 $0x6543210F;
	v17 =	vimm.s32 $0xEDCBA987;
	v18 =	vimm.s32 $0xFEDCBA98  }
0x4: {  	v19 =	vimm.s32 $0x76543210;
	v0 =	vunpack.c.l.s4.s8 v0;
	v2 =	vunpack.c.l.s4.s8 v2  }
0x5: {  	v3 =	vunpack.c.l.s4.s8 v3;
	v16 =	vunpack.c.l.s4.s8 v16;
	v17 =	vunpack.c.l.s4.s8 v17  }
0x6: {  	v18 =	vunpack.c.l.s4.s8 v18;
	v6 =	vunpack.c.0.s8.s32 v0;
	v0 =	vunpack.c.l.s4.s8 v1  }
0x7: {  	v1 =	vimm.s32 $0x10FEDCBA;
	v9 =	vunpack.c.0.s8.s32 v2;
	v10 =	vunpack.c.0.s8.s32 v3  }
0x8: {  	v16 =	vunpack.c.0.s8.s32 v16;
	v17 =	vunpack.c.0.s8.s32 v17;
	v1 =	vunpack.c.l.s4.s8 v1  }
0x9: {  	v18 =	vunpack.c.0.s8.s32 v18;
	v7 =	vunpack.c.0.s8.s32 v0;
	v0 =	vunpack.c.l.s4.s8 v4  }
0xa: {  	v22 =	vcombine.low v17, v16;
	v8 =	vunpack.c.0.s8.s32 v1;
	v1 =	vimm.s32 $0x3210FEDC  }
0xb: {  	v18 =	vand.u32 $0xF, v18;
	v11 =	vunpack.c.0.s8.s32 v0;
	v0 =	vunpack.c.l.s4.s8 v1  }
0xc: {  	s3 =	rddreg [dreg:$0x0];
	v1 =	vimm.s32 $0xBA987654;
	v2 =	vcombine.low v7, v6;
	v63 =	vcombine.low v6, v7  }
0xd: {  	s10 =	rddreg [dreg:$0x1];
	v7 =	vand.u32 $0xF, v22;
	v3 =	vcombine.low v9, v8;
	v1 =	vunpack.c.l.s4.s8 v1  }
0xe: {  	s7 =	rddreg [dreg:$0x2];
	v9 =	vcombine.low v8, v9;
	v4 =	vcombine.low v11, v10;
	v12 =	vunpack.c.0.s8.s32 v0  }
0xf: {  	s0 =	rddreg [dreg:$0x3];
	s1 =	simm.s32 $0x0;
	v0 =	vimm.s32 $0x43210FED;
	v10 =	vcombine.low v10, v11;
	v13 =	vunpack.c.0.s8.s32 v1  }
0x10: {  	s2 =	stileid.u32;
	s4 =	srdreg.scid;
	s15 =	simm.s32 $0x400;
	v5 =	vunpack.c.l.s4.s8 v0;
	v1 =	vand.u32 $0xF, v3;
	v3 =	vunpack.c.l.s4.s8 v14  }
0x11: {  	s16 =	simm.s32 $0x4000;
	[smem:$0x7FF] =	sst s1;
	s5 =	sshll.u32 s2, $0x1;
	v8 =	vand.u32 $0xF, v63;
	v0 =	vand.u32 $0xF, v2;
	v9 =	vand.u32 $0xF, v9  }
0x12: {  	s8 =	sadd.s32 $0x2800, s3;
	s4 =	sand.u32 $0x1, s4;
	s11 =	sadd.s32 $0x800, s3;
	v2 =	vand.u32 $0xF, v4;
	v14 =	vunpack.c.0.s8.s32 v5;
	v15 =	vunpack.c.0.s8.s32 v3  }
0x13: {  	s13 =	sshll.u32 s2, $0xA;
	s14 =	sshll.u32 s2, $0x4;
	p0 =	sgt.u32 s2, $0x7;
	v3 =	vimm.s32 $0x543210FE;
	v5 =	vimm.s32 $0xDCBA9876;
	v11 =	vcombine.low v12, v13  }
0x14: {  	_ =	strace $0x80000047;
	s9 =	sand.u32 $0xE, s5;
	s29 =	ssub.s32 $0x2, s4;
	v10 =	vand.u32 $0xF, v10;
	v3 =	vunpack.c.l.s4.s8 v3;
	v5 =	vunpack.c.l.s4.s8 v5  }
0x15: {  	s10 =	sadd.s32 s10, s14;
	s14 =	simm.s32 $0x80;
	s30 =	sor.u32 s4, s9;
	v4 =	vcombine.low v13, v12;
	v12 =	vcombine.low v14, v15;
	v11 =	vand.u32 $0xF, v11  }
.Ltmp0:
0x16: {  	s31 =	sshrl.u32 s29, $0x1;
	s6 =	sshll.u32 s9, $0x9;
	v20 =	vunpack.c.0.s8.s32 v3;
	v21 =	vunpack.c.0.s8.s32 v5;
	v5 =	vunpack.c.l.s4.s8 v19;
	(pc) =	sbr.rel .LBB2_1-.Ltmp0, $4  }
0x17: {  	s9 =	sshll.u32 s9, $0x3;
	s3 =	sshll.u32 s30, $0xA;
	s12 =	ssub.s32 s29, s31;
	v3 =	vand.u32 $0xF, v4;
	v4 =	vcombine.low v15, v14;
	v14 =	vcombine.low v16, v17  }
0x18: {  	s5 =	sadd.s32 s11, s6;
	s6 =	sadd.s32 s8, s6;
	s7 =	sadd.s32 s7, s9;
	v5 =	vunpack.c.0.s8.s32 v5;
	v62 =	vcombine.low v21, v20;
	v13 =	vcombine.low v20, v21  }
0x19: {  	s8 =	sadd.s32 s8, s13;
	s9 =	sadd.s32 s11, s13;
	s13 =	simm.s32 $0x2000;
	v12 =	vand.u32 $0xF, v12;
	v4 =	vand.u32 $0xF, v4;
	v14 =	vand.u32 $0xF, v14  }
0x1a: {  	s4 =	sand.u32 $0x400, s3;
	s11 =	smax.u32 s12, $0x1;
	s12 =	simm.s32 $0x1;
	v5 =	vcombine.low v18, v5;
	v6 =	vand.u32 $0xF, v62;
	v13 =	vand.u32 $0xF, v13  }
.LBB2_12:
0x1b: {  	s1 =	sadd.s32 $0x1, s1  }
0x1c: {  	p1 =	sne.s32 s1, s11  }
.Ltmp1:
0x1d: {  	s17 =	sadd.s32 s4, s17;
	(pc) =	sbr.rel @!p1 .LBB2_13-.Ltmp1, $4  }
0x1e: {  	[hbm4b:s17+s14] =	stream.strided.scatter [tilespmem:s16], [sflag:$0x1], $0x400, s15, s14, $0x38;
	[tilespmem:$0x4400] =	vst v63  }
0x1f: {  	_ =	swait.ge [sflag:s12], $0x400  }
0x20: {  	[sflag:s12] =	ssyncset.done $0x0  }
0x21: {  	[sflag:s12] =	ssyncadd.s32 $0xFFFFFC00  }
.LBB2_1:
.Ltmp2:
0x22: {  	(pc) =	sbr.rel @p0 .LBB2_7-.Ltmp2, $2  }
0x23: {  	_ =	sdelay $0x2  }
0x24: {  	s17 =	simm.s32 $0x0  }
0x25: {  	[tilespmem:s17], [sflag:$0x1] =	stream.linear.gather [hbm4b:s8+s17], $0x2000, $0x38;
	[tilespmem:$0x4400] =	vst v63  }
0x26: {  	_ =	swait.ge [sflag:s12], $0x2000  }
0x27: {  	[sflag:s12] =	ssyncset.done $0x0  }
0x28: {  	[sflag:s12] =	ssyncadd.s32 $0xFFFFE000  }
0x29: {  	[tilespmem:s13], [sflag:$0x1] =	stream.linear.gather [hbm4b:s9+s17], $0x2000, $0x38;
	[tilespmem:$0x4400] =	vst v63  }
0x2a: {  	_ =	swait.ge [sflag:s12], $0x2000  }
0x2b: {  	[sflag:s12] =	ssyncset.done $0x0  }
0x2c: {  	s18 =	simm.s32 $0x0;
	[sflag:s12] =	ssyncadd.s32 $0xFFFFE000  }
.LBB2_3:
0x2d: {  	s19 =	sshll.u32 s18, $0x4  }
0x2e: {  	s20 =	sadd.s32 s3, s19  }
0x2f: {  	s31 =	sand.u32 $0x70, s17;
	s20 =	sshll.u32 s20, $0x2  }
0x30: {  	s22 =	sand.u32 $0x1E00, s17;
	s21 =	sand.u32 $0x70, s19;
	s20 =	sand.u32 $0x1E00, s20  }
0x31: {  	s20 =	sor.u32 s21, s20;
	s21 =	sor.u32 s31, s22  }
0x32: {  	v17 =	vld [tilespmem:s21+$0x2100]  }
0x33: {  	v22 =	vld [tilespmem:s21+$0x2000]  }
0x34: {  	v24 =	vld [tilespmem:s21+$0x2080];
	_ =	sdelay $0x2  }
0x35: {  	v20 =	vperm.xlane v17, v0  }
0x36: {  	v21 =	vperm.xlane v17, v3;
	v23 =	vperm.xlane v22, v1  }
0x37: {  	v27 =	vperm.xlane v17, v12;
	v30 =	vperm.xlane v24, v0  }
0x38: {  	v31 =	vperm.xlane v22, v14;
	v32 =	vperm.xlane v24, v5  }
0x39: {  	v33 =	vperm.xlane v22, v12;
	v35 =	vperm.xlane v17, v2  }
0x3a: {  	v36 =	vperm.xlane v24, v13;
	v38 =	vperm.xlane v17, v9  }
0x3b: {  	v16 =	vld [tilespmem:s20+$0x0];
	v39 =	vperm.xlane v17, v11;
	v42 =	vperm.xlane v22, v11  }
0x3c: {  	v15 =	vld [tilespmem:s20+$0x100];
	v43 =	vperm.xlane v24, v4;
	v61 =	vperm.xlane v22, v10  }
0x3d: {  	v18 =	vld [tilespmem:s20+$0x80];
	v44 =	vperm.xlane v17, v5;
	v45 =	vperm.xlane v24, v9  }
0x3e: {  	v46 =	vperm.xlane v17, v7;
	v48 =	vperm.xlane v24, v7  }
0x3f: {  	v25 =	vimm.f32 $+Inf;
	v49 =	vperm.xlane v22, v0;
	v50 =	vperm.xlane v24, v11  }
0x40: {  	v19 =	vsub.f32 v16, v22;
	v51 =	vperm.xlane v24, v3;
	v53 =	vperm.xlane v22, v8  }
0x41: {  	v26 =	vsub.f32 v15, v17;
	v62 =	vperm.xlane v17, v6;
	v54 =	vperm.xlane v22, v5  }
0x42: {  	v28 =	vsub.f32 v18, v24;
	v55 =	vperm.xlane v22, v3;
	v56 =	vperm.xlane v22, v4  }
0x43: {  	v58 =	vperm.xlane v24, v8;
	v59 =	vperm.xlane v24, v2;
	v23 =	vsub.f32 v16, v23  }
0x44: {  	v60 =	vperm.xlane v24, v6;
	v30 =	vsub.f32 v18, v30;
	v33 =	vsub.f32 v16, v33  }
0x45: {  	v63 =	vperm.xlane v17, v10;
	v20 =	vsub.f32 v15, v20;
	v35 =	vsub.f32 v15, v35  }
0x46: {  	v29 =	vmul.f32 v19, v19;
	v41 =	vsub.f32 v15, v21;
	v39 =	vsub.f32 v15, v39  }
0x47: {  	v19 =	vperm.xlane v17, v13;
	v32 =	vsub.f32 v18, v32;
	v43 =	vsub.f32 v18, v43  }
0x48: {  	v21 =	vperm.xlane v24, v12;
	v46 =	vsub.f32 v15, v46;
	v36 =	vsub.f32 v18, v36  }
0x49: {  	v26 =	vmul.f32 v26, v26;
	v48 =	vsub.f32 v18, v48;
	v50 =	vsub.f32 v18, v50  }
0x4a: {  	v49 =	vsub.f32 v16, v49;
	v57 =	vsub.f32 v15, v27;
	v27 =	vmul.f32 v28, v28  }
0x4b: {  	v28 =	vperm.xlane v17, v1;
	v45 =	vsub.f32 v18, v45;
	v55 =	vsub.f32 v16, v55  }
0x4c: {  	v56 =	vsub.f32 v16, v56;
	v58 =	vsub.f32 v18, v58;
	v34 =	vmul.f32 v23, v23  }
0x4d: {  	v60 =	vsub.f32 v18, v60;
	v23 =	vperm.xlane v24, v14;
	v37 =	vmul.f32 v30, v30  }
0x4e: {  	v53 =	vsub.f32 v16, v53;
	v30 =	vperm.xlane v24, v1;
	v40 =	vmul.f32 v20, v20  }
0x4f: {  	v42 =	vsub.f32 v16, v42;
	v35 =	vmul.f32 v35, v35;
	v20 =	vmul.f32 v33, v33  }
0x50: {  	v32 =	vmul.f32 v32, v32;
	v47 =	vsub.f32 v18, v21;
	v43 =	vmul.f32 v43, v43  }
0x51: {  	v21 =	vsub.f32 v15, v44;
	v44 =	vperm.xlane v17, v4;
	v48 =	vmul.f32 v48, v48  }
0x52: {  	v33 =	vsub.f32 v16, v61;
	v41 =	vmul.f32 v41, v41;
	v55 =	vmul.f32 v55, v55  }
0x53: {  	v27 =	vadd.f32 v27, v29;
	v29 =	vperm.xlane v22, v6;
	v61 =	vperm.xlane v17, v8  }
0x54: {  	v59 =	vsub.f32 v18, v59;
	v53 =	vmul.f32 v53, v53;
	v45 =	vmul.f32 v45, v45  }
0x55: {  	v19 =	vsub.f32 v15, v19;
	v56 =	vmul.f32 v56, v56;
	v24 =	vperm.xlane v24, v10  }
0x56: {  	v28 =	vsub.f32 v15, v28;
	v42 =	vmul.f32 v42, v42;
	v49 =	vmul.f32 v49, v49  }
0x57: {  	v36 =	vmul.f32 v36, v36;
	v23 =	vsub.f32 v18, v23;
	v30 =	vsub.f32 v18, v30  }
0x58: {  	v52 =	vmul.f32 v21, v21;
	v21 =	vsub.f32 v16, v31;
	v31 =	vsub.f32 v18, v51  }
0x59: {  	v33 =	vmul.f32 v33, v33;
	v51 =	vsub.f32 v15, v62;
	v62 =	vperm.xlane v22, v2  }
0x5a: {  	v29 =	vsub.f32 v16, v29;
	v26 =	vadd.f32 v26, v27;
	v28 =	vmul.f32 v28, v28  }
0x5b: {  	v43 =	vadd.f32 v43, v56;
	v24 =	vsub.f32 v18, v24;
	v31 =	vmul.f32 v31, v31  }
0x5c: {  	v30 =	vmul.f32 v30, v30;
	v51 =	vmul.f32 v51, v51;
	v62 =	vsub.f32 v16, v62  }
0x5d: {  	v24 =	vmul.f32 v24, v24;
	v29 =	vmul.f32 v29, v29;
	v31 =	vadd.f32 v31, v55  }
0x5e: {  	v55 =	vmul.f32 v58, v58;
	v58 =	vsub.f32 v15, v61;
	v61 =	vperm.xlane v22, v9  }
0x5f: {  	v23 =	vmul.f32 v23, v23;
	v30 =	vadd.f32 v30, v34;
	v34 =	vperm.xlane v22, v7  }
0x60: {  	v58 =	vmul.f32 v58, v58;
	v27 =	vsub.f32 v16, v61;
	v31 =	vadd.f32 v41, v31  }
0x61: {  	v28 =	vadd.f32 v28, v30;
	v41 =	vmul.f32 v46, v46;
	v46 =	vmin.f32 v25, v26  }
0x62: {  	v25 =	vmul.f32 v59, v59;
	v26 =	vsub.f32 v15, v44;
	v30 =	vmul.f32 v62, v62  }
0x63: {  	v53 =	vadd.f32 v55, v53;
	v61 =	vsub.f32 v15, v63;
	v63 =	vperm.xlane v22, v13  }
0x64: {  	v34 =	vsub.f32 v16, v34;
	v22 =	vmul.f32 v47, v47;
	v27 =	vmul.f32 v27, v27  }
0x65: {  	v55 =	vsub.f32 v15, v38;
	v26 =	vmul.f32 v26, v26;
	v62 =	vadd.f32 v25, v30  }
0x66: {  	v30 =	vmul.f32 v61, v61;
	v61 =	vsub.f32 v16, v63;
	v45 =	vadd.f32 v45, v27  }
0x67: {  	v27 =	vmul.f32 v60, v60;
	v43 =	vadd.f32 v26, v43;
	v26 =	vadd.f32 v37, v49  }
0x68: {  	v60 =	vsub.f32 v16, v54;
	v54 =	vadd.f32 v35, v62;
	v35 =	vmul.f32 v55, v55  }
0x69: {  	v29 =	vadd.f32 v27, v29;
	v27 =	vmul.f32 v34, v34;
	v37 =	vadd.f32 v40, v26  }
0x6a: {  	v25 =	vadd.f32 v58, v53;
	v62 =	vmul.f32 v61, v61;
	v58 =	vmul.f32 v60, v60  }
0x6b: {  	v26 =	vmul.f32 v39, v39;
	v56 =	vadd.f32 v48, v27;
	v59 =	vmin.f32 v46, v37  }
0x6c: {  	v27 =	vadd.f32 v24, v33;
	v32 =	vadd.f32 v32, v58;
	v28 =	vmin.f32 v59, v28  }
0x6d: {  	v24 =	vmul.f32 v57, v57;
	v60 =	vadd.f32 v51, v29;
	v28 =	vmin.f32 v28, v54  }
0x6e: {  	v33 =	vadd.f32 v41, v56;
	v28 =	vmin.f32 v28, v31;
	v31 =	vmul.f32 v50, v50  }
0x6f: {  	v29 =	vadd.f32 v52, v32;
	v63 =	vmin.f32 v28, v43;
	v28 =	vadd.f32 v35, v45  }
0x70: {  	s22 =	simm.s32 $0x10;
	s20 =	simm.s32 $0x40;
	v34 =	vmin.f32 v63, v60;
	v32 =	vadd.f32 v31, v42;
	v31 =	vadd.f32 v36, v62  }
.LBB2_4:
0x71: {  	s21 =	smov.u32 s22  }
0x72: {  	s23 =	sand.u32 $0x70, s22;
	s24 =	sand.u32 $0x1E00, s20;
	v33 =	vmin.f32 v34, v33;
	v27 =	vadd.f32 v30, v27;
	v20 =	vadd.f32 v22, v20;
	s21 =	sadd.s32 $0x10, s22  }
0x73: {  	p1 =	sne.s32 s22, $0x7F0;
	v19 =	vmul.f32 v19, v19;
	s23 =	sor.u32 s23, s24;
	v22 =	vmin.f32 v33, v29;
	v26 =	vadd.f32 v26, v32  }
0x74: {  	v25 =	vmin.f32 v22, v25;
	v20 =	vadd.f32 v24, v20;
	v24 =	vperm.xlane v17, v14;
	v17 =	vld [tilespmem:s23+$0x2100]  }
0x75: {  	v21 =	vmul.f32 v21, v21;
	v19 =	vadd.f32 v19, v31;
	v28 =	vmin.f32 v25, v28;
	v22 =	vld [tilespmem:s23+$0x2000]  }
0x76: {  	v27 =	vmin.f32 v28, v27;
	v24 =	vsub.f32 v15, v24;
	v25 =	vld [tilespmem:s23+$0x2080]  }
0x77: {  	v21 =	vadd.f32 v23, v21;
	v26 =	vmin.f32 v27, v26  }
0x78: {  	v20 =	vmin.f32 v26, v20;
	v23 =	vmul.f32 v24, v24  }
0x79: {  	v19 =	vmin.f32 v20, v19;
	v31 =	vsub.f32 v15, v17;
	v24 =	vperm.xlane v17, v0  }
0x7a: {  	v28 =	vperm.xlane v17, v3;
	v21 =	vadd.f32 v23, v21;
	v20 =	vsub.f32 v16, v22  }
0x7b: {  	v34 =	vperm.xlane v17, v12;
	v23 =	vperm.xlane v22, v1;
	v33 =	vsub.f32 v18, v25  }
0x7c: {  	v30 =	vmin.f32 v19, v21;
	v35 =	vmul.f32 v20, v20;
	v20 =	vperm.xlane v17, v13  }
0x7d: {  	v36 =	vperm.xlane v22, v14;
	v21 =	vperm.xlane v25, v0;
	v23 =	vsub.f32 v16, v23  }
0x7e: {  	v26 =	vperm.xlane v22, v12;
	v32 =	vperm.xlane v25, v5;
	v19 =	vsub.f32 v15, v20  }
0x7f: {  	v20 =	vsub.f32 v18, v21;
	v37 =	vmul.f32 v23, v23;
	v21 =	vperm.xlane v25, v14  }
0x80: {  	v39 =	vperm.xlane v25, v13;
	v38 =	vsub.f32 v16, v26;
	v23 =	vperm.xlane v17, v2  }
0x81: {  	v26 =	vmul.f32 v20, v20;
	v20 =	vsub.f32 v15, v24;
	v24 =	vperm.xlane v17, v9  }
0x82: {  	v41 =	vperm.xlane v17, v11;
	v40 =	vperm.xlane v25, v1;
	v23 =	vsub.f32 v15, v23  }
0x83: {  	v42 =	vsub.f32 v15, v28;
	v43 =	vperm.xlane v25, v12;
	v27 =	vmul.f32 v20, v20  }
0x84: {  	v44 =	vperm.xlane v22, v11;
	v29 =	vmul.f32 v23, v23;
	v23 =	vsub.f32 v18, v21  }
0x85: {  	v28 =	vsub.f32 v15, v41;
	v21 =	vperm.xlane v25, v4;
	v20 =	vmul.f32 v38, v38  }
0x86: {  	v38 =	vmul.f32 v31, v31;
	v31 =	vsub.f32 v18, v32;
	v32 =	vperm.xlane v22, v10  }
0x87: {  	v41 =	vperm.xlane v17, v5;
	v45 =	vperm.xlane v25, v9;
	v21 =	vsub.f32 v18, v21  }
0x88: {  	v46 =	vperm.xlane v17, v7;
	v43 =	vsub.f32 v18, v43;
	v31 =	vmul.f32 v31, v31  }
0x89: {  	v47 =	vmul.f32 v21, v21;
	v21 =	vsub.f32 v15, v41;
	v41 =	vsub.f32 v16, v32  }
0x8a: {  	v48 =	vperm.xlane v17, v4;
	v49 =	vperm.xlane v25, v7;
	v46 =	vsub.f32 v15, v46  }
0x8b: {  	v50 =	vperm.xlane v22, v0;
	v51 =	vperm.xlane v25, v11;
	v40 =	vsub.f32 v18, v40  }
0x8c: {  	v52 =	vperm.xlane v25, v3;
	v39 =	vsub.f32 v18, v39;
	v32 =	vmul.f32 v21, v21  }
0x8d: {  	v53 =	vperm.xlane v22, v8;
	v40 =	vmul.f32 v40, v40;
	v21 =	vsub.f32 v16, v36  }
0x8e: {  	v49 =	vsub.f32 v18, v49;
	v36 =	vsub.f32 v18, v52;
	v52 =	vperm.xlane v17, v6  }
0x8f: {  	v54 =	vperm.xlane v22, v5;
	v37 =	vadd.f32 v40, v37;
	v40 =	vperm.xlane v22, v7  }
0x90: {  	v51 =	vsub.f32 v18, v51;
	v49 =	vmul.f32 v49, v49;
	v41 =	vmul.f32 v41, v41  }
0x91: {  	v50 =	vsub.f32 v16, v50;
	v42 =	vmul.f32 v42, v42;
	v52 =	vsub.f32 v15, v52  }
0x92: {  	v55 =	vperm.xlane v22, v3;
	v56 =	vperm.xlane v22, v4;
	v34 =	vsub.f32 v15, v34  }
0x93: {  	v57 =	vperm.xlane v17, v1;
	v33 =	vmul.f32 v33, v33;
	v45 =	vsub.f32 v18, v45  }
0x94: {  	v58 =	vperm.xlane v25, v8;
	v55 =	vsub.f32 v16, v55;
	v36 =	vmul.f32 v36, v36  }
0x95: {  	v59 =	vperm.xlane v25, v2;
	v60 =	vperm.xlane v25, v6;
	v56 =	vsub.f32 v16, v56  }
0x96: {  	v58 =	vsub.f32 v18, v58;
	v55 =	vmul.f32 v55, v55;
	v52 =	vmul.f32 v52, v52  }
0x97: {  	v60 =	vsub.f32 v18, v60;
	v33 =	vadd.f32 v33, v35;
	v35 =	vperm.xlane v22, v6  }
0x98: {  	v61 =	vperm.xlane v17, v8;
	v57 =	vsub.f32 v15, v57;
	v53 =	vsub.f32 v16, v53  }
0x99: {  	v62 =	vperm.xlane v22, v2;
	v44 =	vsub.f32 v16, v44;
	v36 =	vadd.f32 v36, v55  }
0x9a: {  	v53 =	vmul.f32 v53, v53;
	v55 =	vmul.f32 v58, v58;
	v58 =	vsub.f32 v15, v61  }
0x9b: {  	v45 =	vmul.f32 v45, v45;
	v35 =	vsub.f32 v16, v35;
	v61 =	vperm.xlane v22, v9  }
0x9c: {  	v62 =	vsub.f32 v16, v62;
	v56 =	vmul.f32 v56, v56;
	v58 =	vmul.f32 v58, v58  }
0x9d: {  	v25 =	vperm.xlane v25, v10;
	v33 =	vadd.f32 v38, v33;
	v38 =	vsub.f32 v16, v61  }
0x9e: {  	v57 =	vmul.f32 v57, v57;
	v47 =	vadd.f32 v47, v56;
	v56 =	vperm.xlane v17, v10  }
0x9f: {  	v59 =	vsub.f32 v18, v59;
	v36 =	vadd.f32 v42, v36;
	v38 =	vmul.f32 v38, v38  }
0xa0: {  	v37 =	vadd.f32 v57, v37;
	v25 =	vsub.f32 v18, v25;
	v42 =	vmul.f32 v46, v46  }
0xa1: {  	v33 =	vmin.f32 v30, v33;
	v30 =	vmul.f32 v59, v59;
	v38 =	vadd.f32 v45, v38  }
0xa2: {  	v46 =	vmul.f32 v60, v60;
	v45 =	vsub.f32 v15, v48;
	v48 =	vmul.f32 v25, v25  }
0xa3: {  	v54 =	vsub.f32 v16, v54;
	v44 =	vmul.f32 v44, v44;
	v25 =	vmul.f32 v62, v62  }
0xa4: {  	v53 =	vadd.f32 v55, v53;
	v55 =	vsub.f32 v15, v56;
	v45 =	vmul.f32 v45, v45  }
0xa5: {  	v50 =	vmul.f32 v50, v50;
	v35 =	vmul.f32 v35, v35;
	v40 =	vsub.f32 v16, v40  }
0xa6: {  	v56 =	vadd.f32 v30, v25;
	v30 =	vmul.f32 v55, v55;
	v45 =	vadd.f32 v45, v47  }
0xa7: {  	v35 =	vadd.f32 v46, v35;
	v46 =	vperm.xlane v22, v13;
	v25 =	vadd.f32 v58, v53  }
0xa8: {  	v26 =	vadd.f32 v26, v50;
	v40 =	vmul.f32 v40, v40;
	v22 =	vmul.f32 v43, v43  }
0xa9: {  	v39 =	vmul.f32 v39, v39;
	v24 =	vsub.f32 v15, v24;
	v29 =	vadd.f32 v29, v56  }
0xaa: {  	v40 =	vadd.f32 v49, v40;
	v43 =	vadd.f32 v27, v26;
	v47 =	vmul.f32 v54, v54  }
0xab: {  	v49 =	vmul.f32 v24, v24;
	v26 =	vmul.f32 v28, v28;
	v27 =	vadd.f32 v48, v41  }
0xac: {  	v24 =	vmul.f32 v34, v34;
	v28 =	vmin.f32 v33, v43;
	v31 =	vadd.f32 v31, v47  }
.Ltmp3:
0xad: {  	v34 =	vadd.f32 v52, v35;
	v35 =	vsub.f32 v16, v46;
	v28 =	vmin.f32 v28, v37;
	(pc) =	sbr.rel @p1 .LBB2_4-.Ltmp3, $4  }
0xae: {  	v33 =	vadd.f32 v42, v40;
	v28 =	vmin.f32 v28, v29;
	v29 =	vadd.f32 v32, v31  }
0xaf: {  	v35 =	vmul.f32 v35, v35;
	v28 =	vmin.f32 v28, v36;
	v31 =	vmul.f32 v51, v51  }
0xb0: {  	v23 =	vmul.f32 v23, v23;
	v32 =	vmin.f32 v28, v45;
	v28 =	vadd.f32 v49, v38  }
0xb1: {  	s20 =	sadd.s32 $0x40, s20;
	s22 =	smov.u32 s21;
	v34 =	vmin.f32 v32, v34;
	v32 =	vadd.f32 v31, v44;
	v31 =	vadd.f32 v39, v35  }
0xb2: {  	v16 =	vmin.f32 v34, v33;
	v18 =	vadd.f32 v30, v27;
	v17 =	vperm.xlane v17, v14  }
0xb3: {  	v20 =	vadd.f32 v22, v20;
	v21 =	vmul.f32 v21, v21;
	v16 =	vmin.f32 v16, v29  }
0xb4: {  	v61 =	vmul.f32 v19, v19;
	v16 =	vmin.f32 v16, v25;
	v15 =	vsub.f32 v15, v17  }
0xb5: {  	s18 =	sadd.s32 $0x1, s18;
	v60 =	vadd.f32 v26, v32;
	v62 =	vadd.f32 v24, v20;
	v16 =	vmin.f32 v16, v28  }
0xb6: {  	p1 =	seq.s32 s18, $0x40;
	v63 =	vadd.f32 v23, v21;
	v16 =	vmin.f32 v16, v18;
	v15 =	vmul.f32 v15, v15  }
.Ltmp4:
0xb7: {  	v17 =	vadd.f32 v61, v31;
	v16 =	vmin.f32 v16, v60;
	(pc) =	sbr.rel @!p1 .LBB2_3-.Ltmp4, $4  }
0xb8: {  	v16 =	vmin.f32 v16, v62;
	v15 =	vadd.f32 v15, v63  }
0xb9: {  	v16 =	vmin.f32 v16, v17  }
0xba: {  	v15 =	vmin.f32 v16, v15  }
0xbb: {  	[tilespmem:s19+$0x4000] =	vst v15  }
.Ltmp5:
0xbc: {  	(pc) =	sbr.rel .LBB2_12-.Ltmp5, $2  }
0xbd: {  	_ =	sdelay $0x2  }
0xbe: {  	s17 =	smov.u32 s10  }
.LBB2_7:
0xbf: {  	[tilespmem:s17], [sflag:$0x1] =	stream.linear.gather [hbm4b:s5+s17], $0x2000, $0x38;
	[tilespmem:$0x4400] =	vst v63  }
0xc0: {  	_ =	swait.ge [sflag:s12], $0x2000  }
0xc1: {  	[sflag:s12] =	ssyncset.done $0x0  }
0xc2: {  	[sflag:s12] =	ssyncadd.s32 $0xFFFFE000  }
0xc3: {  	[tilespmem:s13], [sflag:$0x1] =	stream.linear.gather [hbm4b:s6+s17], $0x2000, $0x38;
	[tilespmem:$0x4400] =	vst v63  }
0xc4: {  	_ =	swait.ge [sflag:s12], $0x2000  }
0xc5: {  	[sflag:s12] =	ssyncset.done $0x0  }
0xc6: {  	s18 =	simm.s32 $0x0;
	[sflag:s12] =	ssyncadd.s32 $0xFFFFE000  }
.LBB2_8:
0xc7: {  	s19 =	sshll.u32 s18, $0x4  }
0xc8: {  	s20 =	sadd.s32 s3, s19  }
0xc9: {  	s31 =	sand.u32 $0x70, s17;
	s20 =	sshll.u32 s20, $0x2  }
0xca: {  	s22 =	sand.u32 $0x1E00, s17;
	s21 =	sand.u32 $0x70, s19;
	s20 =	sand.u32 $0x1E00, s20  }
0xcb: {  	s20 =	sor.u32 s21, s20;
	s21 =	sor.u32 s31, s22  }
0xcc: {  	v17 =	vld [tilespmem:s21+$0x2100]  }
0xcd: {  	v22 =	vld [tilespmem:s21+$0x2000]  }
0xce: {  	v24 =	vld [tilespmem:s21+$0x2080];
	_ =	sdelay $0x2  }
0xcf: {  	v20 =	vperm.xlane v17, v0  }
0xd0: {  	v21 =	vperm.xlane v17, v3;
	v23 =	vperm.xlane v22, v1  }
0xd1: {  	v27 =	vperm.xlane v17, v12;
	v30 =	vperm.xlane v24, v0  }
0xd2: {  	v31 =	vperm.xlane v22, v14;
	v32 =	vperm.xlane v24, v5  }
0xd3: {  	v33 =	vperm.xlane v22, v12;
	v35 =	vperm.xlane v17, v2  }
0xd4: {  	v36 =	vperm.xlane v24, v13;
	v38 =	vperm.xlane v17, v9  }
0xd5: {  	v16 =	vld [tilespmem:s20+$0x0];
	v39 =	vperm.xlane v17, v11;
	v42 =	vperm.xlane v22, v11  }
0xd6: {  	v15 =	vld [tilespmem:s20+$0x100];
	v43 =	vperm.xlane v24, v4;
	v61 =	vperm.xlane v22, v10  }
0xd7: {  	v18 =	vld [tilespmem:s20+$0x80];
	v44 =	vperm.xlane v17, v5;
	v45 =	vperm.xlane v24, v9  }
0xd8: {  	v46 =	vperm.xlane v17, v7;
	v48 =	vperm.xlane v24, v7  }
0xd9: {  	v25 =	vimm.f32 $+Inf;
	v49 =	vperm.xlane v22, v0;
	v50 =	vperm.xlane v24, v11  }
0xda: {  	v19 =	vsub.f32 v16, v22;
	v51 =	vperm.xlane v24, v3;
	v53 =	vperm.xlane v22, v8  }
0xdb: {  	v26 =	vsub.f32 v15, v17;
	v62 =	vperm.xlane v17, v6;
	v54 =	vperm.xlane v22, v5  }
0xdc: {  	v28 =	vsub.f32 v18, v24;
	v55 =	vperm.xlane v22, v3;
	v56 =	vperm.xlane v22, v4  }
0xdd: {  	v58 =	vperm.xlane v24, v8;
	v59 =	vperm.xlane v24, v2;
	v23 =	vsub.f32 v16, v23  }
0xde: {  	v60 =	vperm.xlane v24, v6;
	v30 =	vsub.f32 v18, v30;
	v33 =	vsub.f32 v16, v33  }
0xdf: {  	v63 =	vperm.xlane v17, v10;
	v20 =	vsub.f32 v15, v20;
	v35 =	vsub.f32 v15, v35  }
0xe0: {  	v29 =	vmul.f32 v19, v19;
	v41 =	vsub.f32 v15, v21;
	v39 =	vsub.f32 v15, v39  }
0xe1: {  	v19 =	vperm.xlane v17, v13;
	v32 =	vsub.f32 v18, v32;
	v43 =	vsub.f32 v18, v43  }
0xe2: {  	v21 =	vperm.xlane v24, v12;
	v46 =	vsub.f32 v15, v46;
	v36 =	vsub.f32 v18, v36  }
0xe3: {  	v26 =	vmul.f32 v26, v26;
	v48 =	vsub.f32 v18, v48;
	v50 =	vsub.f32 v18, v50  }
0xe4: {  	v49 =	vsub.f32 v16, v49;
	v57 =	vsub.f32 v15, v27;
	v27 =	vmul.f32 v28, v28  }
0xe5: {  	v28 =	vperm.xlane v17, v1;
	v45 =	vsub.f32 v18, v45;
	v55 =	vsub.f32 v16, v55  }
0xe6: {  	v56 =	vsub.f32 v16, v56;
	v58 =	vsub.f32 v18, v58;
	v34 =	vmul.f32 v23, v23  }
0xe7: {  	v60 =	vsub.f32 v18, v60;
	v23 =	vperm.xlane v24, v14;
	v37 =	vmul.f32 v30, v30  }
0xe8: {  	v53 =	vsub.f32 v16, v53;
	v30 =	vperm.xlane v24, v1;
	v40 =	vmul.f32 v20, v20  }
0xe9: {  	v42 =	vsub.f32 v16, v42;
	v35 =	vmul.f32 v35, v35;
	v20 =	vmul.f32 v33, v33  }
0xea: {  	v32 =	vmul.f32 v32, v32;
	v47 =	vsub.f32 v18, v21;
	v43 =	vmul.f32 v43, v43  }
0xeb: {  	v21 =	vsub.f32 v15, v44;
	v44 =	vperm.xlane v17, v4;
	v48 =	vmul.f32 v48, v48  }
0xec: {  	v33 =	vsub.f32 v16, v61;
	v41 =	vmul.f32 v41, v41;
	v55 =	vmul.f32 v55, v55  }
0xed: {  	v27 =	vadd.f32 v27, v29;
	v29 =	vperm.xlane v22, v6;
	v61 =	vperm.xlane v17, v8  }
0xee: {  	v59 =	vsub.f32 v18, v59;
	v53 =	vmul.f32 v53, v53;
	v45 =	vmul.f32 v45, v45  }
0xef: {  	v19 =	vsub.f32 v15, v19;
	v56 =	vmul.f32 v56, v56;
	v24 =	vperm.xlane v24, v10  }
0xf0: {  	v28 =	vsub.f32 v15, v28;
	v42 =	vmul.f32 v42, v42;
	v49 =	vmul.f32 v49, v49  }
0xf1: {  	v36 =	vmul.f32 v36, v36;
	v23 =	vsub.f32 v18, v23;
	v30 =	vsub.f32 v18, v30  }
0xf2: {  	v52 =	vmul.f32 v21, v21;
	v21 =	vsub.f32 v16, v31;
	v31 =	vsub.f32 v18, v51  }
0xf3: {  	v33 =	vmul.f32 v33, v33;
	v51 =	vsub.f32 v15, v62;
	v62 =	vperm.xlane v22, v2  }
0xf4: {  	v29 =	vsub.f32 v16, v29;
	v26 =	vadd.f32 v26, v27;
	v28 =	vmul.f32 v28, v28  }
0xf5: {  	v43 =	vadd.f32 v43, v56;
	v24 =	vsub.f32 v18, v24;
	v31 =	vmul.f32 v31, v31  }
0xf6: {  	v30 =	vmul.f32 v30, v30;
	v51 =	vmul.f32 v51, v51;
	v62 =	vsub.f32 v16, v62  }
0xf7: {  	v24 =	vmul.f32 v24, v24;
	v29 =	vmul.f32 v29, v29;
	v31 =	vadd.f32 v31, v55  }
0xf8: {  	v55 =	vmul.f32 v58, v58;
	v58 =	vsub.f32 v15, v61;
	v61 =	vperm.xlane v22, v9  }
0xf9: {  	v23 =	vmul.f32 v23, v23;
	v30 =	vadd.f32 v30, v34;
	v34 =	vperm.xlane v22, v7  }
0xfa: {  	v58 =	vmul.f32 v58, v58;
	v27 =	vsub.f32 v16, v61;
	v31 =	vadd.f32 v41, v31  }
0xfb: {  	v28 =	vadd.f32 v28, v30;
	v41 =	vmul.f32 v46, v46;
	v46 =	vmin.f32 v25, v26  }
0xfc: {  	v25 =	vmul.f32 v59, v59;
	v26 =	vsub.f32 v15, v44;
	v30 =	vmul.f32 v62, v62  }
0xfd: {  	v53 =	vadd.f32 v55, v53;
	v61 =	vsub.f32 v15, v63;
	v63 =	vperm.xlane v22, v13  }
0xfe: {  	v34 =	vsub.f32 v16, v34;
	v22 =	vmul.f32 v47, v47;
	v27 =	vmul.f32 v27, v27  }
0xff: {  	v55 =	vsub.f32 v15, v38;
	v26 =	vmul.f32 v26, v26;
	v62 =	vadd.f32 v25, v30  }
0x100: {  	v30 =	vmul.f32 v61, v61;
	v61 =	vsub.f32 v16, v63;
	v45 =	vadd.f32 v45, v27  }
0x101: {  	v27 =	vmul.f32 v60, v60;
	v43 =	vadd.f32 v26, v43;
	v26 =	vadd.f32 v37, v49  }
0x102: {  	v60 =	vsub.f32 v16, v54;
	v54 =	vadd.f32 v35, v62;
	v35 =	vmul.f32 v55, v55  }
0x103: {  	v29 =	vadd.f32 v27, v29;
	v27 =	vmul.f32 v34, v34;
	v37 =	vadd.f32 v40, v26  }
0x104: {  	v25 =	vadd.f32 v58, v53;
	v62 =	vmul.f32 v61, v61;
	v58 =	vmul.f32 v60, v60  }
0x105: {  	v26 =	vmul.f32 v39, v39;
	v56 =	vadd.f32 v48, v27;
	v59 =	vmin.f32 v46, v37  }
0x106: {  	v27 =	vadd.f32 v24, v33;
	v32 =	vadd.f32 v32, v58;
	v28 =	vmin.f32 v59, v28  }
0x107: {  	v24 =	vmul.f32 v57, v57;
	v60 =	vadd.f32 v51, v29;
	v28 =	vmin.f32 v28, v54  }
0x108: {  	v33 =	vadd.f32 v41, v56;
	v28 =	vmin.f32 v28, v31;
	v31 =	vmul.f32 v50, v50  }
0x109: {  	v29 =	vadd.f32 v52, v32;
	v63 =	vmin.f32 v28, v43;
	v28 =	vadd.f32 v35, v45  }
0x10a: {  	s22 =	simm.s32 $0x10;
	s20 =	simm.s32 $0x40;
	v34 =	vmin.f32 v63, v60;
	v32 =	vadd.f32 v31, v42;
	v31 =	vadd.f32 v36, v62  }
.LBB2_9:
0x10b: {  	s21 =	smov.u32 s22  }
0x10c: {  	s23 =	sand.u32 $0x70, s22;
	s24 =	sand.u32 $0x1E00, s20;
	v33 =	vmin.f32 v34, v33;
	v27 =	vadd.f32 v30, v27;
	v20 =	vadd.f32 v22, v20;
	s21 =	sadd.s32 $0x10, s22  }
0x10d: {  	p1 =	sne.s32 s22, $0x7F0;
	v19 =	vmul.f32 v19, v19;
	s23 =	sor.u32 s23, s24;
	v22 =	vmin.f32 v33, v29;
	v26 =	vadd.f32 v26, v32  }
0x10e: {  	v25 =	vmin.f32 v22, v25;
	v20 =	vadd.f32 v24, v20;
	v24 =	vperm.xlane v17, v14;
	v17 =	vld [tilespmem:s23+$0x2100]  }
0x10f: {  	v21 =	vmul.f32 v21, v21;
	v19 =	vadd.f32 v19, v31;
	v28 =	vmin.f32 v25, v28;
	v22 =	vld [tilespmem:s23+$0x2000]  }
0x110: {  	v27 =	vmin.f32 v28, v27;
	v24 =	vsub.f32 v15, v24;
	v25 =	vld [tilespmem:s23+$0x2080]  }
0x111: {  	v21 =	vadd.f32 v23, v21;
	v26 =	vmin.f32 v27, v26  }
0x112: {  	v20 =	vmin.f32 v26, v20;
	v23 =	vmul.f32 v24, v24  }
0x113: {  	v19 =	vmin.f32 v20, v19;
	v31 =	vsub.f32 v15, v17;
	v24 =	vperm.xlane v17, v0  }
0x114: {  	v28 =	vperm.xlane v17, v3;
	v21 =	vadd.f32 v23, v21;
	v20 =	vsub.f32 v16, v22  }
0x115: {  	v34 =	vperm.xlane v17, v12;
	v23 =	vperm.xlane v22, v1;
	v33 =	vsub.f32 v18, v25  }
0x116: {  	v30 =	vmin.f32 v19, v21;
	v35 =	vmul.f32 v20, v20;
	v20 =	vperm.xlane v17, v13  }
0x117: {  	v36 =	vperm.xlane v22, v14;
	v21 =	vperm.xlane v25, v0;
	v23 =	vsub.f32 v16, v23  }
0x118: {  	v26 =	vperm.xlane v22, v12;
	v32 =	vperm.xlane v25, v5;
	v19 =	vsub.f32 v15, v20  }
0x119: {  	v20 =	vsub.f32 v18, v21;
	v37 =	vmul.f32 v23, v23;
	v21 =	vperm.xlane v25, v14  }
0x11a: {  	v39 =	vperm.xlane v25, v13;
	v38 =	vsub.f32 v16, v26;
	v23 =	vperm.xlane v17, v2  }
0x11b: {  	v26 =	vmul.f32 v20, v20;
	v20 =	vsub.f32 v15, v24;
	v24 =	vperm.xlane v17, v9  }
0x11c: {  	v41 =	vperm.xlane v17, v11;
	v40 =	vperm.xlane v25, v1;
	v23 =	vsub.f32 v15, v23  }
0x11d: {  	v42 =	vsub.f32 v15, v28;
	v43 =	vperm.xlane v25, v12;
	v27 =	vmul.f32 v20, v20  }
0x11e: {  	v44 =	vperm.xlane v22, v11;
	v29 =	vmul.f32 v23, v23;
	v23 =	vsub.f32 v18, v21  }
0x11f: {  	v28 =	vsub.f32 v15, v41;
	v21 =	vperm.xlane v25, v4;
	v20 =	vmul.f32 v38, v38  }
0x120: {  	v38 =	vmul.f32 v31, v31;
	v31 =	vsub.f32 v18, v32;
	v32 =	vperm.xlane v22, v10  }
0x121: {  	v41 =	vperm.xlane v17, v5;
	v45 =	vperm.xlane v25, v9;
	v21 =	vsub.f32 v18, v21  }
0x122: {  	v46 =	vperm.xlane v17, v7;
	v43 =	vsub.f32 v18, v43;
	v31 =	vmul.f32 v31, v31  }
0x123: {  	v47 =	vmul.f32 v21, v21;
	v21 =	vsub.f32 v15, v41;
	v41 =	vsub.f32 v16, v32  }
0x124: {  	v48 =	vperm.xlane v17, v4;
	v49 =	vperm.xlane v25, v7;
	v46 =	vsub.f32 v15, v46  }
0x125: {  	v50 =	vperm.xlane v22, v0;
	v51 =	vperm.xlane v25, v11;
	v40 =	vsub.f32 v18, v40  }
0x126: {  	v52 =	vperm.xlane v25, v3;
	v39 =	vsub.f32 v18, v39;
	v32 =	vmul.f32 v21, v21  }
0x127: {  	v53 =	vperm.xlane v22, v8;
	v40 =	vmul.f32 v40, v40;
	v21 =	vsub.f32 v16, v36  }
0x128: {  	v49 =	vsub.f32 v18, v49;
	v36 =	vsub.f32 v18, v52;
	v52 =	vperm.xlane v17, v6  }
0x129: {  	v54 =	vperm.xlane v22, v5;
	v37 =	vadd.f32 v40, v37;
	v40 =	vperm.xlane v22, v7  }
0x12a: {  	v51 =	vsub.f32 v18, v51;
	v49 =	vmul.f32 v49, v49;
	v41 =	vmul.f32 v41, v41  }
0x12b: {  	v50 =	vsub.f32 v16, v50;
	v42 =	vmul.f32 v42, v42;
	v52 =	vsub.f32 v15, v52  }
0x12c: {  	v55 =	vperm.xlane v22, v3;
	v56 =	vperm.xlane v22, v4;
	v34 =	vsub.f32 v15, v34  }
0x12d: {  	v57 =	vperm.xlane v17, v1;
	v33 =	vmul.f32 v33, v33;
	v45 =	vsub.f32 v18, v45  }
0x12e: {  	v58 =	vperm.xlane v25, v8;
	v55 =	vsub.f32 v16, v55;
	v36 =	vmul.f32 v36, v36  }
0x12f: {  	v59 =	vperm.xlane v25, v2;
	v60 =	vperm.xlane v25, v6;
	v56 =	vsub.f32 v16, v56  }
0x130: {  	v58 =	vsub.f32 v18, v58;
	v55 =	vmul.f32 v55, v55;
	v52 =	vmul.f32 v52, v52  }
0x131: {  	v60 =	vsub.f32 v18, v60;
	v33 =	vadd.f32 v33, v35;
	v35 =	vperm.xlane v22, v6  }
0x132: {  	v61 =	vperm.xlane v17, v8;
	v57 =	vsub.f32 v15, v57;
	v53 =	vsub.f32 v16, v53  }
0x133: {  	v62 =	vperm.xlane v22, v2;
	v44 =	vsub.f32 v16, v44;
	v36 =	vadd.f32 v36, v55  }
0x134: {  	v53 =	vmul.f32 v53, v53;
	v55 =	vmul.f32 v58, v58;
	v58 =	vsub.f32 v15, v61  }
0x135: {  	v45 =	vmul.f32 v45, v45;
	v35 =	vsub.f32 v16, v35;
	v61 =	vperm.xlane v22, v9  }
0x136: {  	v62 =	vsub.f32 v16, v62;
	v56 =	vmul.f32 v56, v56;
	v58 =	vmul.f32 v58, v58  }
0x137: {  	v25 =	vperm.xlane v25, v10;
	v33 =	vadd.f32 v38, v33;
	v38 =	vsub.f32 v16, v61  }
0x138: {  	v57 =	vmul.f32 v57, v57;
	v47 =	vadd.f32 v47, v56;
	v56 =	vperm.xlane v17, v10  }
0x139: {  	v59 =	vsub.f32 v18, v59;
	v36 =	vadd.f32 v42, v36;
	v38 =	vmul.f32 v38, v38  }
0x13a: {  	v37 =	vadd.f32 v57, v37;
	v25 =	vsub.f32 v18, v25;
	v42 =	vmul.f32 v46, v46  }
0x13b: {  	v33 =	vmin.f32 v30, v33;
	v30 =	vmul.f32 v59, v59;
	v38 =	vadd.f32 v45, v38  }
0x13c: {  	v46 =	vmul.f32 v60, v60;
	v45 =	vsub.f32 v15, v48;
	v48 =	vmul.f32 v25, v25  }
0x13d: {  	v54 =	vsub.f32 v16, v54;
	v44 =	vmul.f32 v44, v44;
	v25 =	vmul.f32 v62, v62  }
0x13e: {  	v53 =	vadd.f32 v55, v53;
	v55 =	vsub.f32 v15, v56;
	v45 =	vmul.f32 v45, v45  }
0x13f: {  	v50 =	vmul.f32 v50, v50;
	v35 =	vmul.f32 v35, v35;
	v40 =	vsub.f32 v16, v40  }
0x140: {  	v56 =	vadd.f32 v30, v25;
	v30 =	vmul.f32 v55, v55;
	v45 =	vadd.f32 v45, v47  }
0x141: {  	v35 =	vadd.f32 v46, v35;
	v46 =	vperm.xlane v22, v13;
	v25 =	vadd.f32 v58, v53  }
0x142: {  	v26 =	vadd.f32 v26, v50;
	v40 =	vmul.f32 v40, v40;
	v22 =	vmul.f32 v43, v43  }
0x143: {  	v39 =	vmul.f32 v39, v39;
	v24 =	vsub.f32 v15, v24;
	v29 =	vadd.f32 v29, v56  }
0x144: {  	v40 =	vadd.f32 v49, v40;
	v43 =	vadd.f32 v27, v26;
	v47 =	vmul.f32 v54, v54  }
0x145: {  	v49 =	vmul.f32 v24, v24;
	v26 =	vmul.f32 v28, v28;
	v27 =	vadd.f32 v48, v41  }
0x146: {  	v24 =	vmul.f32 v34, v34;
	v28 =	vmin.f32 v33, v43;
	v31 =	vadd.f32 v31, v47  }
.Ltmp6:
0x147: {  	v34 =	vadd.f32 v52, v35;
	v35 =	vsub.f32 v16, v46;
	v28 =	vmin.f32 v28, v37;
	(pc) =	sbr.rel @p1 .LBB2_9-.Ltmp6, $4  }
0x148: {  	v33 =	vadd.f32 v42, v40;
	v28 =	vmin.f32 v28, v29;
	v29 =	vadd.f32 v32, v31  }
0x149: {  	v35 =	vmul.f32 v35, v35;
	v28 =	vmin.f32 v28, v36;
	v31 =	vmul.f32 v51, v51  }
0x14a: {  	v23 =	vmul.f32 v23, v23;
	v32 =	vmin.f32 v28, v45;
	v28 =	vadd.f32 v49, v38  }
0x14b: {  	s20 =	sadd.s32 $0x40, s20;
	s22 =	smov.u32 s21;
	v34 =	vmin.f32 v32, v34;
	v32 =	vadd.f32 v31, v44;
	v31 =	vadd.f32 v39, v35  }
0x14c: {  	v16 =	vmin.f32 v34, v33;
	v18 =	vadd.f32 v30, v27;
	v17 =	vperm.xlane v17, v14  }
0x14d: {  	v20 =	vadd.f32 v22, v20;
	v21 =	vmul.f32 v21, v21;
	v16 =	vmin.f32 v16, v29  }
0x14e: {  	v61 =	vmul.f32 v19, v19;
	v16 =	vmin.f32 v16, v25;
	v15 =	vsub.f32 v15, v17  }
0x14f: {  	s18 =	sadd.s32 $0x1, s18;
	v60 =	vadd.f32 v26, v32;
	v62 =	vadd.f32 v24, v20;
	v16 =	vmin.f32 v16, v28  }
0x150: {  	p1 =	sne.s32 s18, $0x40;
	v63 =	vadd.f32 v23, v21;
	v16 =	vmin.f32 v16, v18;
	v15 =	vmul.f32 v15, v15  }
.Ltmp7:
0x151: {  	v17 =	vadd.f32 v61, v31;
	v16 =	vmin.f32 v16, v60;
	(pc) =	sbr.rel @p1 .LBB2_8-.Ltmp7, $4  }
0x152: {  	v16 =	vmin.f32 v16, v62;
	v15 =	vadd.f32 v15, v63  }
0x153: {  	v16 =	vmin.f32 v16, v17  }
0x154: {  	v15 =	vmin.f32 v16, v15  }
0x155: {  	[tilespmem:s19+$0x4000] =	vst v15  }
.Ltmp8:
0x156: {  	(pc) =	sbr.rel .LBB2_12-.Ltmp8, $2  }
0x157: {  	_ =	sdelay $0x2  }
0x158: {  	s17 =	smov.u32 s7  }
.LBB2_13:
0x159: {  	_ =	sfence.sel $0x180000  }
0x15a: {  	[bflag:$0x0] =	sbarrier.arrive $0xFFFF  }
0x15b: {  	p0 =	sne.s32 s2, $0x0;
	_ =	strace $0x90000047  }
0x15c: {  	s0 =	sadd.s32 @!p0 $0x100000, s0;
	[bflag:$0x2] =	sbarrier.arrive $0xFFFF  }
0x15d: {  	[sflag:s0] =	ssyncadd.tile.s32 @!p0 $0x1;
	_ =	shalt  }
.Lfunc_end2:
_tile_overlayer_lowered:
.L_overlay_start_2:
0x15e: {  	(tag) =	ssettag $0x2  }
0x15f: {  	s0 =	rddreg [dreg:$0x0];
	s2 =	stileid.u32  }
0x160: {  	s1 =	rddreg [dreg:$0x1];
	p0 =	sne.s32 s2, $0x0  }
0x161: {  	s3 =	rddreg [dreg:$0x2];
	[bflag:$0x3] =	sbarrier.arrive $0xFFFF;
	s2 =	simm.s32 @!p0 $0x1C01  }
0x162: {  	[timem:s3], [sflag:s2] =	dma.local @!p0 [hbm:s0], s1  }
0x163: {  	s0 =	simm.s32 @!p0 $0x1  }
0x164: {  	_ =	swait.ge @!p0 [sflag:s0], s1  }
0x165: {  	s1 =	ssub.s32 @!p0 $0x0, s1;
	[sflag:s0] =	ssyncset.done @!p0 $0x0  }
0x166: {  	[sflag:s0] =	ssyncadd.s32 @!p0 s1  }
0x167: {  	[bflag:$0x3] =	sbarrier.arrive $0xFFFF  }
0x168: {  	_ =	shalt  }

</sc_bundles>
